<compile_context>
chip_gen: v7x
topology: tpu7x:2x2x1
jax: 0.10.2.dev20260603
libtpu: 0.0.44.dev20260713+nightly
codegen_flags: <defaults>
</compile_context>

<pallas_src>
import functools

import jax
import jax.numpy as jnp
from jax import lax
from jax.experimental import pallas as pl
from jax.experimental.pallas import tpu as pltpu
from jax.experimental.pallas import tpu_sc as plsc

H = 2048
E = 16
LW = 128
NC = 2
NS = 16
NW = NC * NS
L = 16


def _logits_body(h_ref, w_ref, b_ref, out_ref):
    tm = h_ref.shape[0]
    acc = lax.dot_general(h_ref[...], w_ref[...],
                          dimension_numbers=(((1,), (1,)), ((), ())),
                          preferred_element_type=jnp.float32)
    pad = jnp.zeros((tm, LW - E), jnp.float32)
    out_ref[...] = jnp.concatenate([acc + b_ref[...], pad], axis=1)


def _compute_logits(h2, W, bias_row):
    m = h2.shape[0]
    tm = 1024
    return pl.pallas_call(
        _logits_body,
        grid=(m // tm,),
        in_specs=[
            pl.BlockSpec((tm, H), lambda i: (i, 0)),
            pl.BlockSpec((E, H), lambda i: (0, 0)),
            pl.BlockSpec((1, E), lambda i: (0, 0)),
        ],
        out_specs=pl.BlockSpec((tm, LW), lambda i: (i, 0)),
        out_shape=jax.ShapeDtypeStruct((m, LW), jnp.float32),
    )(h2, W, bias_row)


def _make_router(tok):
    chunk = tok // NW
    groups = chunk // L
    mesh = plsc.VectorSubcoreMesh(core_axis_name="c", subcore_axis_name="s")

    @functools.partial(
        pl.kernel,
        mesh=mesh,
        out_type=(
            jax.ShapeDtypeStruct((tok, LW), jnp.float32),
            jax.ShapeDtypeStruct((NW * E,), jnp.float32),
            jax.ShapeDtypeStruct((NW * E,), jnp.float32),
        ),
        scratch_types=[
            pltpu.VMEM((chunk, E), jnp.float32),
            pltpu.VMEM((chunk, E), jnp.float32),
            pltpu.VMEM((E,), jnp.float32),
        ],
        compiler_params=pltpu.CompilerParams(
            needs_layout_passes=False, use_tc_tiling_on_sc=False),
    )
    def router(logits_hbm, route_hbm, imp_hbm, load_hbm, lv, rv, pv):
        wid = lax.axis_index("s") * NC + lax.axis_index("c")
        base = wid * chunk
        pltpu.sync_copy(logits_hbm.at[pl.ds(base, chunk), pl.ds(0, E)], lv)

        lanes = lax.iota(jnp.int32, L)
        zero = jnp.zeros((L,), jnp.float32)
        ninf = jnp.full((L,), -jnp.inf, jnp.float32)

        def group(g, carry):
            imp, ld = carry
            tok_idx = g * L + lanes
            r = [plsc.load_gather(lv, [tok_idx, jnp.full((L,), e, jnp.int32)])
                 for e in range(E)]
            m1 = r[0]
            i1 = jnp.zeros((L,), jnp.int32)
            m2 = ninf
            i2 = jnp.full((L,), E, jnp.int32)
            for e in range(1, E):
                gt1 = r[e] > m1
                gt2 = (~gt1) & (r[e] > m2)
                m2 = jnp.where(gt1, m1, jnp.where(gt2, r[e], m2))
                i2 = jnp.where(gt1, i1, jnp.where(gt2, e, i2))
                m1 = jnp.where(gt1, r[e], m1)
                i1 = jnp.where(gt1, e, i1)
            sumex = zero
            for e in range(E):
                sumex = sumex + jnp.exp(r[e] - m1)
            inv_sumex = 1.0 / sumex
            em = jnp.exp(m2 - m1)
            invd = 1.0 / (1.0 + em)
            s1 = invd
            s2 = em * invd
            s2pos = s2 > 0
            new_imp, new_ld = [], []
            for e in range(E):
                new_imp.append(imp[e] + jnp.exp(r[e] - m1) * inv_sumex)
                on1 = i1 == e
                on2 = i2 == e
                route_e = jnp.where(on1, s1, jnp.where(on2, s2, 0.0))
                new_ld.append(ld[e] + jnp.where(on1 | (on2 & s2pos), 1.0, 0.0))
                plsc.store_scatter(rv, [tok_idx, jnp.full((L,), e, jnp.int32)],
                                   route_e)
            return tuple(new_imp), tuple(new_ld)

        imp, ld = lax.fori_loop(0, groups, group,
                                (tuple(zero for _ in range(E)),
                                 tuple(zero for _ in range(E))))
        pltpu.sync_copy(rv, route_hbm.at[pl.ds(base, chunk), pl.ds(0, E)])

        impv = zero
        for e in range(E):
            impv = jnp.where(lanes == e, jnp.sum(imp[e]), impv)
        pv[...] = impv
        pltpu.sync_copy(pv, imp_hbm.at[pl.ds(wid * E, E)])
        ldv = zero
        for e in range(E):
            ldv = jnp.where(lanes == e, jnp.sum(ld[e]), ldv)
        pv[...] = ldv
        pltpu.sync_copy(pv, load_hbm.at[pl.ds(wid * E, E)])

    return router


def kernel(h, W, bias):
    b, s, _ = h.shape
    tok = b * s
    h2 = h.reshape(tok, H)
    logits = _compute_logits(h2, W, bias.reshape(1, E))
    route_w, imp_part, load_part = _make_router(tok)(logits)
    importance = imp_part.reshape(NW, E).sum(axis=0)
    load = load_part.reshape(NW, E).sum(axis=0) / tok
    aux_loss = jnp.mean(importance * load * (E * E))
    return route_w[:, :E].reshape(b, s, E), aux_loss

# --- scband reference (transcript-rebuilt; emitter-appended) ---
"""Pipeline reference for scband-top-krouter-84318797955293 (READ-ONLY COPY).

The authoritative reference and input builder live on the scoring server;
editing this copy changes nothing except your own understanding.
"""

import jax, jax.numpy as jnp
import numpy as np

HIDDEN_DIM = 2048
NUM_EXPERTS = 16
TOP_K = 2
B = 4
S = 4096


def setup_inputs(seed: int = 0) -> dict:
    key = jax.random.key(seed)
    k1, k2, k3 = jax.random.split(key, 3)
    h = jax.random.normal(k1, (B, S, HIDDEN_DIM), dtype=jnp.float32)
    # nn.Linear(hidden_dim, num_experts): weight [E, H], bias [E]
    W = jax.random.normal(k2, (NUM_EXPERTS, HIDDEN_DIM), dtype=jnp.float32) * (1.0 / np.sqrt(HIDDEN_DIM))
    bias = jax.random.uniform(k3, (NUM_EXPERTS,), dtype=jnp.float32, minval=-1.0 / np.sqrt(HIDDEN_DIM), maxval=1.0 / np.sqrt(HIDDEN_DIM))
    return {"h": h, "W": W, "bias": bias}


def reference(h, W, bias):
    # Inference mode: no gaussian noise added (module is eval / self.training=False)
    k = TOP_K
    E = NUM_EXPERTS
    logits = jnp.einsum('bsh,eh->bse', h, W) + bias  # [B, S, E]
    topk_vals, topk_idx = jax.lax.top_k(logits, k)   # [B, S, k]
    topk_scores = jax.nn.softmax(topk_vals, axis=-1)  # [B, S, k]
    Bsz, Ssz, _ = logits.shape
    bi = jnp.arange(Bsz)[:, None, None]
    si = jnp.arange(Ssz)[None, :, None]
    route_weights = jnp.zeros_like(logits).at[bi, si, topk_idx].set(topk_scores)  # scatter along last dim
    importance = jax.nn.softmax(logits, axis=-1).sum(axis=(0, 1))  # [E]
    load = (route_weights > 0).astype(jnp.float32).sum(axis=(0, 1)) / (Bsz * Ssz)  # [E]
    aux_loss = (importance * load * (E ** 2)).mean()
    return (route_weights, aux_loss)

if __name__ == "__main__":
    import jax
    _d = setup_inputs()
    print(jax.jit(kernel)(*tuple(_d.values())))

</pallas_src>

<mosaic_0001>
#map = affine_map<(d0, d1) -> (0, 0)>
#map1 = affine_map<(d0, d1) -> (0)>
module attributes {stable_mosaic.version = 14 : i64} {
  func.func @router(%arg0: i32, %arg1: i32, %arg2: memref<16384x128xf32, #tpu.memory_space<hbm>>, %arg3: memref<16384x128xf32, #tpu.memory_space<hbm>>, %arg4: memref<512xf32, #tpu.memory_space<hbm>>, %arg5: memref<512xf32, #tpu.memory_space<hbm>>, %arg6: memref<512x16xf32, #tpu.memory_space<vmem>>, %arg7: memref<512x16xf32, #tpu.memory_space<vmem>>, %arg8: memref<16xf32, #tpu.memory_space<vmem>>) attributes {dimension_semantics = [#tpu.dimension_semantics<core_parallel>, #tpu.dimension_semantics<subcore_parallel>], iteration_bounds = array<i64: 2, 16>, scalar_prefetch = 0 : i64, scratch_operands = 3 : i64, tpu.core_type = #tpu.core_type<sc_vector_subcore>, window_params = [{transform_indices = #map}, {transform_indices = #map}, {transform_indices = #map1}, {transform_indices = #map1}]} {
    %mul3A = arith.constant 2 : i32
    %mul3A_0 = arith.muli %arg1, %mul3A : i32
    %add3A = arith.addi %mul3A_0, %arg0 : i32
    %mul3A_1 = arith.constant 512 : i32
    %mul3A_2 = arith.muli %add3A, %mul3A_1 : i32
    "tpu.region"() ({
      %run_scoped3A = tpu.sem_alloc : memref<!tpu.dma_semaphore, #tpu.memory_space<semaphore_mem>>
      %dma_start3A = arith.constant 0 : i32
      %dma_start3A_303 = tpu.memref_slice %arg2[%mul3A_2, %dma_start3A] : memref<16384x128xf32, #tpu.memory_space<hbm>> -> memref<512x16xf32, #tpu.memory_space<hbm>>
      %dma_start3A_304 = arith.constant 0 : i32
      %dma_start3A_305 = tpu.memref_slice %arg2[%mul3A_2, %dma_start3A_304] : memref<16384x128xf32, #tpu.memory_space<hbm>> -> memref<512x16xf32, #tpu.memory_space<hbm>>
      tpu.enqueue_dma source(%dma_start3A_305 : memref<512x16xf32, #tpu.memory_space<hbm>>) target(%arg6 : memref<512x16xf32, #tpu.memory_space<vmem>>) target_semaphore(%run_scoped3A : memref<!tpu.dma_semaphore, #tpu.memory_space<semaphore_mem>>)
      %dma_wait3A = arith.constant 0 : i32
      %dma_wait3A_306 = tpu.memref_slice %arg2[%mul3A_2, %dma_wait3A] : memref<16384x128xf32, #tpu.memory_space<hbm>> -> memref<512x16xf32, #tpu.memory_space<hbm>>
      %dma_wait3A_307 = arith.constant 0 : i32
      %dma_wait3A_308 = tpu.memref_slice %arg2[%mul3A_2, %dma_wait3A_307] : memref<16384x128xf32, #tpu.memory_space<hbm>> -> memref<512x16xf32, #tpu.memory_space<hbm>>
      tpu.wait_dma2 semaphore(%run_scoped3A : memref<!tpu.dma_semaphore, #tpu.memory_space<semaphore_mem>>) src(%dma_wait3A_308 : memref<512x16xf32, #tpu.memory_space<hbm>>) dst(%arg6 : memref<512x16xf32, #tpu.memory_space<vmem>>)
      tpu.yield
    }) : () -> ()
    %iota3A = tpu.iota {dimensions = array<i32: 0>} : vector<16xi32>
    %broadcast_in_dim3A = arith.constant 0.000000e+00 : f32
    %broadcast_in_dim3A_3 = vector.broadcast %broadcast_in_dim3A : f32 to vector<16xf32>
    %broadcast_in_dim3A_4 = arith.constant 0xFF800000 : f32
    %broadcast_in_dim3A_5 = vector.broadcast %broadcast_in_dim3A_4 : f32 to vector<16xf32>
    %scan3A = arith.constant 0 : i32
    %scan3A_6 = arith.constant 32 : i32
    %scan3A_7 = arith.addi %scan3A, %scan3A_6 : i32
    %scan3A_8 = arith.constant 1 : i32
    %scan3A_9:32 = scf.for %scan3A_303 = %scan3A to %scan3A_7 step %scan3A_8 iter_args(%scan3A_304 = %broadcast_in_dim3A_3, %scan3A_305 = %broadcast_in_dim3A_3, %scan3A_306 = %broadcast_in_dim3A_3, %scan3A_307 = %broadcast_in_dim3A_3, %scan3A_308 = %broadcast_in_dim3A_3, %scan3A_309 = %broadcast_in_dim3A_3, %scan3A_310 = %broadcast_in_dim3A_3, %scan3A_311 = %broadcast_in_dim3A_3, %scan3A_312 = %broadcast_in_dim3A_3, %scan3A_313 = %broadcast_in_dim3A_3, %scan3A_314 = %broadcast_in_dim3A_3, %scan3A_315 = %broadcast_in_dim3A_3, %scan3A_316 = %broadcast_in_dim3A_3, %scan3A_317 = %broadcast_in_dim3A_3, %scan3A_318 = %broadcast_in_dim3A_3, %scan3A_319 = %broadcast_in_dim3A_3, %scan3A_320 = %broadcast_in_dim3A_3, %scan3A_321 = %broadcast_in_dim3A_3, %scan3A_322 = %broadcast_in_dim3A_3, %scan3A_323 = %broadcast_in_dim3A_3, %scan3A_324 = %broadcast_in_dim3A_3, %scan3A_325 = %broadcast_in_dim3A_3, %scan3A_326 = %broadcast_in_dim3A_3, %scan3A_327 = %broadcast_in_dim3A_3, %scan3A_328 = %broadcast_in_dim3A_3, %scan3A_329 = %broadcast_in_dim3A_3, %scan3A_330 = %broadcast_in_dim3A_3, %scan3A_331 = %broadcast_in_dim3A_3, %scan3A_332 = %broadcast_in_dim3A_3, %scan3A_333 = %broadcast_in_dim3A_3, %scan3A_334 = %broadcast_in_dim3A_3, %scan3A_335 = %broadcast_in_dim3A_3) -> (vector<16xf32>, vector<16xf32>, vector<16xf32>, vector<16xf32>, vector<16xf32>, vector<16xf32>, vector<16xf32>, vector<16xf32>, vector<16xf32>, vector<16xf32>, vector<16xf32>, vector<16xf32>, vector<16xf32>, vector<16xf32>, vector<16xf32>, vector<16xf32>, vector<16xf32>, vector<16xf32>, vector<16xf32>, vector<16xf32>, vector<16xf32>, vector<16xf32>, vector<16xf32>, vector<16xf32>, vector<16xf32>, vector<16xf32>, vector<16xf32>, vector<16xf32>, vector<16xf32>, vector<16xf32>, vector<16xf32>, vector<16xf32>)  : i32 {
      %mul3A_336 = arith.constant 16 : i32
      %mul3A_337 = arith.muli %scan3A_303, %mul3A_336 : i32
      %add3A_338 = vector.broadcast %mul3A_337 : i32 to vector<16xi32>
      %add3A_339 = arith.addi %add3A_338, %iota3A : vector<16xi32>
      %broadcast_in_dim3A_340 = arith.constant 0 : i32
      %broadcast_in_dim3A_341 = vector.broadcast %broadcast_in_dim3A_340 : i32 to vector<16xi32>
      %gather3A = tpu.vector_load_idx %arg6[%add3A_339, %broadcast_in_dim3A_341] : memref<512x16xf32, #tpu.memory_space<vmem>>[vector<16xi32>, vector<16xi32>], vector<16xf32>,
      %broadcast_in_dim3A_342 = arith.constant 1 : i32
      %broadcast_in_dim3A_343 = vector.broadcast %broadcast_in_dim3A_342 : i32 to vector<16xi32>
      %gather3A_344 = tpu.vector_load_idx %arg6[%add3A_339, %broadcast_in_dim3A_343] : memref<512x16xf32, #tpu.memory_space<vmem>>[vector<16xi32>, vector<16xi32>], vector<16xf32>,
      %broadcast_in_dim3A_345 = arith.constant 2 : i32
      %broadcast_in_dim3A_346 = vector.broadcast %broadcast_in_dim3A_345 : i32 to vector<16xi32>
      %gather3A_347 = tpu.vector_load_idx %arg6[%add3A_339, %broadcast_in_dim3A_346] : memref<512x16xf32, #tpu.memory_space<vmem>>[vector<16xi32>, vector<16xi32>], vector<16xf32>,
      %broadcast_in_dim3A_348 = arith.constant 3 : i32
      %broadcast_in_dim3A_349 = vector.broadcast %broadcast_in_dim3A_348 : i32 to vector<16xi32>
      %gather3A_350 = tpu.vector_load_idx %arg6[%add3A_339, %broadcast_in_dim3A_349] : memref<512x16xf32, #tpu.memory_space<vmem>>[vector<16xi32>, vector<16xi32>], vector<16xf32>,
      %broadcast_in_dim3A_351 = arith.constant 4 : i32
      %broadcast_in_dim3A_352 = vector.broadcast %broadcast_in_dim3A_351 : i32 to vector<16xi32>
      %gather3A_353 = tpu.vector_load_idx %arg6[%add3A_339, %broadcast_in_dim3A_352] : memref<512x16xf32, #tpu.memory_space<vmem>>[vector<16xi32>, vector<16xi32>], vector<16xf32>,
      %broadcast_in_dim3A_354 = arith.constant 5 : i32
      %broadcast_in_dim3A_355 = vector.broadcast %broadcast_in_dim3A_354 : i32 to vector<16xi32>
      %gather3A_356 = tpu.vector_load_idx %arg6[%add3A_339, %broadcast_in_dim3A_355] : memref<512x16xf32, #tpu.memory_space<vmem>>[vector<16xi32>, vector<16xi32>], vector<16xf32>,
      %broadcast_in_dim3A_357 = arith.constant 6 : i32
      %broadcast_in_dim3A_358 = vector.broadcast %broadcast_in_dim3A_357 : i32 to vector<16xi32>
      %gather3A_359 = tpu.vector_load_idx %arg6[%add3A_339, %broadcast_in_dim3A_358] : memref<512x16xf32, #tpu.memory_space<vmem>>[vector<16xi32>, vector<16xi32>], vector<16xf32>,
      %broadcast_in_dim3A_360 = arith.constant 7 : i32
      %broadcast_in_dim3A_361 = vector.broadcast %broadcast_in_dim3A_360 : i32 to vector<16xi32>
      %gather3A_362 = tpu.vector_load_idx %arg6[%add3A_339, %broadcast_in_dim3A_361] : memref<512x16xf32, #tpu.memory_space<vmem>>[vector<16xi32>, vector<16xi32>], vector<16xf32>,
      %broadcast_in_dim3A_363 = arith.constant 8 : i32
      %broadcast_in_dim3A_364 = vector.broadcast %broadcast_in_dim3A_363 : i32 to vector<16xi32>
      %gather3A_365 = tpu.vector_load_idx %arg6[%add3A_339, %broadcast_in_dim3A_364] : memref<512x16xf32, #tpu.memory_space<vmem>>[vector<16xi32>, vector<16xi32>], vector<16xf32>,
      %broadcast_in_dim3A_366 = arith.constant 9 : i32
      %broadcast_in_dim3A_367 = vector.broadcast %broadcast_in_dim3A_366 : i32 to vector<16xi32>
      %gather3A_368 = tpu.vector_load_idx %arg6[%add3A_339, %broadcast_in_dim3A_367] : memref<512x16xf32, #tpu.memory_space<vmem>>[vector<16xi32>, vector<16xi32>], vector<16xf32>,
      %broadcast_in_dim3A_369 = arith.constant 10 : i32
      %broadcast_in_dim3A_370 = vector.broadcast %broadcast_in_dim3A_369 : i32 to vector<16xi32>
      %gather3A_371 = tpu.vector_load_idx %arg6[%add3A_339, %broadcast_in_dim3A_370] : memref<512x16xf32, #tpu.memory_space<vmem>>[vector<16xi32>, vector<16xi32>], vector<16xf32>,
      %broadcast_in_dim3A_372 = arith.constant 11 : i32
      %broadcast_in_dim3A_373 = vector.broadcast %broadcast_in_dim3A_372 : i32 to vector<16xi32>
      %gather3A_374 = tpu.vector_load_idx %arg6[%add3A_339, %broadcast_in_dim3A_373] : memref<512x16xf32, #tpu.memory_space<vmem>>[vector<16xi32>, vector<16xi32>], vector<16xf32>,
      %broadcast_in_dim3A_375 = arith.constant 12 : i32
      %broadcast_in_dim3A_376 = vector.broadcast %broadcast_in_dim3A_375 : i32 to vector<16xi32>
      %gather3A_377 = tpu.vector_load_idx %arg6[%add3A_339, %broadcast_in_dim3A_376] : memref<512x16xf32, #tpu.memory_space<vmem>>[vector<16xi32>, vector<16xi32>], vector<16xf32>,
      %broadcast_in_dim3A_378 = arith.constant 13 : i32
      %broadcast_in_dim3A_379 = vector.broadcast %broadcast_in_dim3A_378 : i32 to vector<16xi32>
      %gather3A_380 = tpu.vector_load_idx %arg6[%add3A_339, %broadcast_in_dim3A_379] : memref<512x16xf32, #tpu.memory_space<vmem>>[vector<16xi32>, vector<16xi32>], vector<16xf32>,
      %broadcast_in_dim3A_381 = arith.constant 14 : i32
      %broadcast_in_dim3A_382 = vector.broadcast %broadcast_in_dim3A_381 : i32 to vector<16xi32>
      %gather3A_383 = tpu.vector_load_idx %arg6[%add3A_339, %broadcast_in_dim3A_382] : memref<512x16xf32, #tpu.memory_space<vmem>>[vector<16xi32>, vector<16xi32>], vector<16xf32>,
      %broadcast_in_dim3A_384 = arith.constant 15 : i32
      %broadcast_in_dim3A_385 = vector.broadcast %broadcast_in_dim3A_384 : i32 to vector<16xi32>
      %gather3A_386 = tpu.vector_load_idx %arg6[%add3A_339, %broadcast_in_dim3A_385] : memref<512x16xf32, #tpu.memory_space<vmem>>[vector<16xi32>, vector<16xi32>], vector<16xf32>,
      %broadcast_in_dim3A_387 = arith.constant 0 : i32
      %broadcast_in_dim3A_388 = vector.broadcast %broadcast_in_dim3A_387 : i32 to vector<16xi32>
      %broadcast_in_dim3A_389 = arith.constant 16 : i32
      %broadcast_in_dim3A_390 = vector.broadcast %broadcast_in_dim3A_389 : i32 to vector<16xi32>
      %gt3A = arith.cmpf ogt, %gather3A_344, %gather3A : vector<16xf32>
      %not3A = arith.constant dense<true> : vector<16xi1>
      %not3A_391 = arith.xori %gt3A, %not3A : vector<16xi1>
      %gt3A_392 = arith.cmpf ogt, %gather3A_344, %broadcast_in_dim3A_5 : vector<16xf32>
      %and3A = arith.andi %not3A_391, %gt3A_392 : vector<16xi1>
      %select_n3A_393 = arith.select %and3A, %gather3A_344, %broadcast_in_dim3A_5 : vector<16xi1>, vector<16xf32>
      %select_n3A_394 = arith.select %gt3A, %gather3A, %select_n3A_393 : vector<16xi1>, vector<16xf32>
      %jit3A = arith.constant 1 : i32
      %broadcast_in_dim3A_395 = vector.broadcast %jit3A : i32 to vector<16xi32>
      %select_n3A_396 = arith.select %and3A, %broadcast_in_dim3A_395, %broadcast_in_dim3A_390 : vector<16xi1>, vector<16xi32>
      %select_n3A_397 = arith.select %gt3A, %broadcast_in_dim3A_388, %select_n3A_396 : vector<16xi1>, vector<16xi32>
      %select_n3A_398 = arith.select %gt3A, %gather3A_344, %gather3A : vector<16xi1>, vector<16xf32>
      %jit3A_399 = arith.constant 1 : i32
      %broadcast_in_dim3A_400 = vector.broadcast %jit3A_399 : i32 to vector<16xi32>
      %select_n3A_401 = arith.select %gt3A, %broadcast_in_dim3A_400, %broadcast_in_dim3A_388 : vector<16xi1>, vector<16xi32>
      %gt3A_402 = arith.cmpf ogt, %gather3A_347, %select_n3A_398 : vector<16xf32>
      %not3A_403 = arith.constant dense<true> : vector<16xi1>
      %not3A_404 = arith.xori %gt3A_402, %not3A_403 : vector<16xi1>
      %gt3A_405 = arith.cmpf ogt, %gather3A_347, %select_n3A_394 : vector<16xf32>
      %and3A_406 = arith.andi %not3A_404, %gt3A_405 : vector<16xi1>
      %select_n3A_407 = arith.select %and3A_406, %gather3A_347, %select_n3A_394 : vector<16xi1>, vector<16xf32>
      %select_n3A_408 = arith.select %gt3A_402, %select_n3A_398, %select_n3A_407 : vector<16xi1>, vector<16xf32>
      %jit3A_409 = arith.constant 2 : i32
      %broadcast_in_dim3A_410 = vector.broadcast %jit3A_409 : i32 to vector<16xi32>
      %select_n3A_411 = arith.select %and3A_406, %broadcast_in_dim3A_410, %select_n3A_397 : vector<16xi1>, vector<16xi32>
      %select_n3A_412 = arith.select %gt3A_402, %select_n3A_401, %select_n3A_411 : vector<16xi1>, vector<16xi32>
      %select_n3A_413 = arith.select %gt3A_402, %gather3A_347, %select_n3A_398 : vector<16xi1>, vector<16xf32>
      %jit3A_414 = arith.constant 2 : i32
      %broadcast_in_dim3A_415 = vector.broadcast %jit3A_414 : i32 to vector<16xi32>
      %select_n3A_416 = arith.select %gt3A_402, %broadcast_in_dim3A_415, %select_n3A_401 : vector<16xi1>, vector<16xi32>
      %gt3A_417 = arith.cmpf ogt, %gather3A_350, %select_n3A_413 : vector<16xf32>
      %not3A_418 = arith.constant dense<true> : vector<16xi1>
      %not3A_419 = arith.xori %gt3A_417, %not3A_418 : vector<16xi1>
      %gt3A_420 = arith.cmpf ogt, %gather3A_350, %select_n3A_408 : vector<16xf32>
      %and3A_421 = arith.andi %not3A_419, %gt3A_420 : vector<16xi1>
      %select_n3A_422 = arith.select %and3A_421, %gather3A_350, %select_n3A_408 : vector<16xi1>, vector<16xf32>
      %select_n3A_423 = arith.select %gt3A_417, %select_n3A_413, %select_n3A_422 : vector<16xi1>, vector<16xf32>
      %jit3A_424 = arith.constant 3 : i32
      %broadcast_in_dim3A_425 = vector.broadcast %jit3A_424 : i32 to vector<16xi32>
      %select_n3A_426 = arith.select %and3A_421, %broadcast_in_dim3A_425, %select_n3A_412 : vector<16xi1>, vector<16xi32>
      %select_n3A_427 = arith.select %gt3A_417, %select_n3A_416, %select_n3A_426 : vector<16xi1>, vector<16xi32>
      %select_n3A_428 = arith.select %gt3A_417, %gather3A_350, %select_n3A_413 : vector<16xi1>, vector<16xf32>
      %jit3A_429 = arith.constant 3 : i32
      %broadcast_in_dim3A_430 = vector.broadcast %jit3A_429 : i32 to vector<16xi32>
      %select_n3A_431 = arith.select %gt3A_417, %broadcast_in_dim3A_430, %select_n3A_416 : vector<16xi1>, vector<16xi32>
      %gt3A_432 = arith.cmpf ogt, %gather3A_353, %select_n3A_428 : vector<16xf32>
      %not3A_433 = arith.constant dense<true> : vector<16xi1>
      %not3A_434 = arith.xori %gt3A_432, %not3A_433 : vector<16xi1>
      %gt3A_435 = arith.cmpf ogt, %gather3A_353, %select_n3A_423 : vector<16xf32>
      %and3A_436 = arith.andi %not3A_434, %gt3A_435 : vector<16xi1>
      %select_n3A_437 = arith.select %and3A_436, %gather3A_353, %select_n3A_423 : vector<16xi1>, vector<16xf32>
      %select_n3A_438 = arith.select %gt3A_432, %select_n3A_428, %select_n3A_437 : vector<16xi1>, vector<16xf32>
      %jit3A_439 = arith.constant 4 : i32
      %broadcast_in_dim3A_440 = vector.broadcast %jit3A_439 : i32 to vector<16xi32>
      %select_n3A_441 = arith.select %and3A_436, %broadcast_in_dim3A_440, %select_n3A_427 : vector<16xi1>, vector<16xi32>
      %select_n3A_442 = arith.select %gt3A_432, %select_n3A_431, %select_n3A_441 : vector<16xi1>, vector<16xi32>
      %select_n3A_443 = arith.select %gt3A_432, %gather3A_353, %select_n3A_428 : vector<16xi1>, vector<16xf32>
      %jit3A_444 = arith.constant 4 : i32
      %broadcast_in_dim3A_445 = vector.broadcast %jit3A_444 : i32 to vector<16xi32>
      %select_n3A_446 = arith.select %gt3A_432, %broadcast_in_dim3A_445, %select_n3A_431 : vector<16xi1>, vector<16xi32>
      %gt3A_447 = arith.cmpf ogt, %gather3A_356, %select_n3A_443 : vector<16xf32>
      %not3A_448 = arith.constant dense<true> : vector<16xi1>
      %not3A_449 = arith.xori %gt3A_447, %not3A_448 : vector<16xi1>
      %gt3A_450 = arith.cmpf ogt, %gather3A_356, %select_n3A_438 : vector<16xf32>
      %and3A_451 = arith.andi %not3A_449, %gt3A_450 : vector<16xi1>
      %select_n3A_452 = arith.select %and3A_451, %gather3A_356, %select_n3A_438 : vector<16xi1>, vector<16xf32>
      %select_n3A_453 = arith.select %gt3A_447, %select_n3A_443, %select_n3A_452 : vector<16xi1>, vector<16xf32>
      %jit3A_454 = arith.constant 5 : i32
      %broadcast_in_dim3A_455 = vector.broadcast %jit3A_454 : i32 to vector<16xi32>
      %select_n3A_456 = arith.select %and3A_451, %broadcast_in_dim3A_455, %select_n3A_442 : vector<16xi1>, vector<16xi32>
      %select_n3A_457 = arith.select %gt3A_447, %select_n3A_446, %select_n3A_456 : vector<16xi1>, vector<16xi32>
      %select_n3A_458 = arith.select %gt3A_447, %gather3A_356, %select_n3A_443 : vector<16xi1>, vector<16xf32>
      %jit3A_459 = arith.constant 5 : i32
      %broadcast_in_dim3A_460 = vector.broadcast %jit3A_459 : i32 to vector<16xi32>
      %select_n3A_461 = arith.select %gt3A_447, %broadcast_in_dim3A_460, %select_n3A_446 : vector<16xi1>, vector<16xi32>
      %gt3A_462 = arith.cmpf ogt, %gather3A_359, %select_n3A_458 : vector<16xf32>
      %not3A_463 = arith.constant dense<true> : vector<16xi1>
      %not3A_464 = arith.xori %gt3A_462, %not3A_463 : vector<16xi1>
      %gt3A_465 = arith.cmpf ogt, %gather3A_359, %select_n3A_453 : vector<16xf32>
      %and3A_466 = arith.andi %not3A_464, %gt3A_465 : vector<16xi1>
      %select_n3A_467 = arith.select %and3A_466, %gather3A_359, %select_n3A_453 : vector<16xi1>, vector<16xf32>
      %select_n3A_468 = arith.select %gt3A_462, %select_n3A_458, %select_n3A_467 : vector<16xi1>, vector<16xf32>
      %jit3A_469 = arith.constant 6 : i32
      %broadcast_in_dim3A_470 = vector.broadcast %jit3A_469 : i32 to vector<16xi32>
      %select_n3A_471 = arith.select %and3A_466, %broadcast_in_dim3A_470, %select_n3A_457 : vector<16xi1>, vector<16xi32>
      %select_n3A_472 = arith.select %gt3A_462, %select_n3A_461, %select_n3A_471 : vector<16xi1>, vector<16xi32>
      %select_n3A_473 = arith.select %gt3A_462, %gather3A_359, %select_n3A_458 : vector<16xi1>, vector<16xf32>
      %jit3A_474 = arith.constant 6 : i32
      %broadcast_in_dim3A_475 = vector.broadcast %jit3A_474 : i32 to vector<16xi32>
      %select_n3A_476 = arith.select %gt3A_462, %broadcast_in_dim3A_475, %select_n3A_461 : vector<16xi1>, vector<16xi32>
      %gt3A_477 = arith.cmpf ogt, %gather3A_362, %select_n3A_473 : vector<16xf32>
      %not3A_478 = arith.constant dense<true> : vector<16xi1>
      %not3A_479 = arith.xori %gt3A_477, %not3A_478 : vector<16xi1>
      %gt3A_480 = arith.cmpf ogt, %gather3A_362, %select_n3A_468 : vector<16xf32>
      %and3A_481 = arith.andi %not3A_479, %gt3A_480 : vector<16xi1>
      %select_n3A_482 = arith.select %and3A_481, %gather3A_362, %select_n3A_468 : vector<16xi1>, vector<16xf32>
      %select_n3A_483 = arith.select %gt3A_477, %select_n3A_473, %select_n3A_482 : vector<16xi1>, vector<16xf32>
      %jit3A_484 = arith.constant 7 : i32
      %broadcast_in_dim3A_485 = vector.broadcast %jit3A_484 : i32 to vector<16xi32>
      %select_n3A_486 = arith.select %and3A_481, %broadcast_in_dim3A_485, %select_n3A_472 : vector<16xi1>, vector<16xi32>
      %select_n3A_487 = arith.select %gt3A_477, %select_n3A_476, %select_n3A_486 : vector<16xi1>, vector<16xi32>
      %select_n3A_488 = arith.select %gt3A_477, %gather3A_362, %select_n3A_473 : vector<16xi1>, vector<16xf32>
      %jit3A_489 = arith.constant 7 : i32
      %broadcast_in_dim3A_490 = vector.broadcast %jit3A_489 : i32 to vector<16xi32>
      %select_n3A_491 = arith.select %gt3A_477, %broadcast_in_dim3A_490, %select_n3A_476 : vector<16xi1>, vector<16xi32>
      %gt3A_492 = arith.cmpf ogt, %gather3A_365, %select_n3A_488 : vector<16xf32>
      %not3A_493 = arith.constant dense<true> : vector<16xi1>
      %not3A_494 = arith.xori %gt3A_492, %not3A_493 : vector<16xi1>
      %gt3A_495 = arith.cmpf ogt, %gather3A_365, %select_n3A_483 : vector<16xf32>
      %and3A_496 = arith.andi %not3A_494, %gt3A_495 : vector<16xi1>
      %select_n3A_497 = arith.select %and3A_496, %gather3A_365, %select_n3A_483 : vector<16xi1>, vector<16xf32>
      %select_n3A_498 = arith.select %gt3A_492, %select_n3A_488, %select_n3A_497 : vector<16xi1>, vector<16xf32>
      %jit3A_499 = arith.constant 8 : i32
      %broadcast_in_dim3A_500 = vector.broadcast %jit3A_499 : i32 to vector<16xi32>
      %select_n3A_501 = arith.select %and3A_496, %broadcast_in_dim3A_500, %select_n3A_487 : vector<16xi1>, vector<16xi32>
      %select_n3A_502 = arith.select %gt3A_492, %select_n3A_491, %select_n3A_501 : vector<16xi1>, vector<16xi32>
      %select_n3A_503 = arith.select %gt3A_492, %gather3A_365, %select_n3A_488 : vector<16xi1>, vector<16xf32>
      %jit3A_504 = arith.constant 8 : i32
      %broadcast_in_dim3A_505 = vector.broadcast %jit3A_504 : i32 to vector<16xi32>
      %select_n3A_506 = arith.select %gt3A_492, %broadcast_in_dim3A_505, %select_n3A_491 : vector<16xi1>, vector<16xi32>
      %gt3A_507 = arith.cmpf ogt, %gather3A_368, %select_n3A_503 : vector<16xf32>
      %not3A_508 = arith.constant dense<true> : vector<16xi1>
      %not3A_509 = arith.xori %gt3A_507, %not3A_508 : vector<16xi1>
      %gt3A_510 = arith.cmpf ogt, %gather3A_368, %select_n3A_498 : vector<16xf32>
      %and3A_511 = arith.andi %not3A_509, %gt3A_510 : vector<16xi1>
      %select_n3A_512 = arith.select %and3A_511, %gather3A_368, %select_n3A_498 : vector<16xi1>, vector<16xf32>
      %select_n3A_513 = arith.select %gt3A_507, %select_n3A_503, %select_n3A_512 : vector<16xi1>, vector<16xf32>
      %jit3A_514 = arith.constant 9 : i32
      %broadcast_in_dim3A_515 = vector.broadcast %jit3A_514 : i32 to vector<16xi32>
      %select_n3A_516 = arith.select %and3A_511, %broadcast_in_dim3A_515, %select_n3A_502 : vector<16xi1>, vector<16xi32>
      %select_n3A_517 = arith.select %gt3A_507, %select_n3A_506, %select_n3A_516 : vector<16xi1>, vector<16xi32>
      %select_n3A_518 = arith.select %gt3A_507, %gather3A_368, %select_n3A_503 : vector<16xi1>, vector<16xf32>
      %jit3A_519 = arith.constant 9 : i32
      %broadcast_in_dim3A_520 = vector.broadcast %jit3A_519 : i32 to vector<16xi32>
      %select_n3A_521 = arith.select %gt3A_507, %broadcast_in_dim3A_520, %select_n3A_506 : vector<16xi1>, vector<16xi32>
      %gt3A_522 = arith.cmpf ogt, %gather3A_371, %select_n3A_518 : vector<16xf32>
      %not3A_523 = arith.constant dense<true> : vector<16xi1>
      %not3A_524 = arith.xori %gt3A_522, %not3A_523 : vector<16xi1>
      %gt3A_525 = arith.cmpf ogt, %gather3A_371, %select_n3A_513 : vector<16xf32>
      %and3A_526 = arith.andi %not3A_524, %gt3A_525 : vector<16xi1>
      %select_n3A_527 = arith.select %and3A_526, %gather3A_371, %select_n3A_513 : vector<16xi1>, vector<16xf32>
      %select_n3A_528 = arith.select %gt3A_522, %select_n3A_518, %select_n3A_527 : vector<16xi1>, vector<16xf32>
      %jit3A_529 = arith.constant 10 : i32
      %broadcast_in_dim3A_530 = vector.broadcast %jit3A_529 : i32 to vector<16xi32>
      %select_n3A_531 = arith.select %and3A_526, %broadcast_in_dim3A_530, %select_n3A_517 : vector<16xi1>, vector<16xi32>
      %select_n3A_532 = arith.select %gt3A_522, %select_n3A_521, %select_n3A_531 : vector<16xi1>, vector<16xi32>
      %select_n3A_533 = arith.select %gt3A_522, %gather3A_371, %select_n3A_518 : vector<16xi1>, vector<16xf32>
      %jit3A_534 = arith.constant 10 : i32
      %broadcast_in_dim3A_535 = vector.broadcast %jit3A_534 : i32 to vector<16xi32>
      %select_n3A_536 = arith.select %gt3A_522, %broadcast_in_dim3A_535, %select_n3A_521 : vector<16xi1>, vector<16xi32>
      %gt3A_537 = arith.cmpf ogt, %gather3A_374, %select_n3A_533 : vector<16xf32>
      %not3A_538 = arith.constant dense<true> : vector<16xi1>
      %not3A_539 = arith.xori %gt3A_537, %not3A_538 : vector<16xi1>
      %gt3A_540 = arith.cmpf ogt, %gather3A_374, %select_n3A_528 : vector<16xf32>
      %and3A_541 = arith.andi %not3A_539, %gt3A_540 : vector<16xi1>
      %select_n3A_542 = arith.select %and3A_541, %gather3A_374, %select_n3A_528 : vector<16xi1>, vector<16xf32>
      %select_n3A_543 = arith.select %gt3A_537, %select_n3A_533, %select_n3A_542 : vector<16xi1>, vector<16xf32>
      %jit3A_544 = arith.constant 11 : i32
      %broadcast_in_dim3A_545 = vector.broadcast %jit3A_544 : i32 to vector<16xi32>
      %select_n3A_546 = arith.select %and3A_541, %broadcast_in_dim3A_545, %select_n3A_532 : vector<16xi1>, vector<16xi32>
      %select_n3A_547 = arith.select %gt3A_537, %select_n3A_536, %select_n3A_546 : vector<16xi1>, vector<16xi32>
      %select_n3A_548 = arith.select %gt3A_537, %gather3A_374, %select_n3A_533 : vector<16xi1>, vector<16xf32>
      %jit3A_549 = arith.constant 11 : i32
      %broadcast_in_dim3A_550 = vector.broadcast %jit3A_549 : i32 to vector<16xi32>
      %select_n3A_551 = arith.select %gt3A_537, %broadcast_in_dim3A_550, %select_n3A_536 : vector<16xi1>, vector<16xi32>
      %gt3A_552 = arith.cmpf ogt, %gather3A_377, %select_n3A_548 : vector<16xf32>
      %not3A_553 = arith.constant dense<true> : vector<16xi1>
      %not3A_554 = arith.xori %gt3A_552, %not3A_553 : vector<16xi1>
      %gt3A_555 = arith.cmpf ogt, %gather3A_377, %select_n3A_543 : vector<16xf32>
      %and3A_556 = arith.andi %not3A_554, %gt3A_555 : vector<16xi1>
      %select_n3A_557 = arith.select %and3A_556, %gather3A_377, %select_n3A_543 : vector<16xi1>, vector<16xf32>
      %select_n3A_558 = arith.select %gt3A_552, %select_n3A_548, %select_n3A_557 : vector<16xi1>, vector<16xf32>
      %jit3A_559 = arith.constant 12 : i32
      %broadcast_in_dim3A_560 = vector.broadcast %jit3A_559 : i32 to vector<16xi32>
      %select_n3A_561 = arith.select %and3A_556, %broadcast_in_dim3A_560, %select_n3A_547 : vector<16xi1>, vector<16xi32>
      %select_n3A_562 = arith.select %gt3A_552, %select_n3A_551, %select_n3A_561 : vector<16xi1>, vector<16xi32>
      %select_n3A_563 = arith.select %gt3A_552, %gather3A_377, %select_n3A_548 : vector<16xi1>, vector<16xf32>
      %jit3A_564 = arith.constant 12 : i32
      %broadcast_in_dim3A_565 = vector.broadcast %jit3A_564 : i32 to vector<16xi32>
      %select_n3A_566 = arith.select %gt3A_552, %broadcast_in_dim3A_565, %select_n3A_551 : vector<16xi1>, vector<16xi32>
      %gt3A_567 = arith.cmpf ogt, %gather3A_380, %select_n3A_563 : vector<16xf32>
      %not3A_568 = arith.constant dense<true> : vector<16xi1>
      %not3A_569 = arith.xori %gt3A_567, %not3A_568 : vector<16xi1>
      %gt3A_570 = arith.cmpf ogt, %gather3A_380, %select_n3A_558 : vector<16xf32>
      %and3A_571 = arith.andi %not3A_569, %gt3A_570 : vector<16xi1>
      %select_n3A_572 = arith.select %and3A_571, %gather3A_380, %select_n3A_558 : vector<16xi1>, vector<16xf32>
      %select_n3A_573 = arith.select %gt3A_567, %select_n3A_563, %select_n3A_572 : vector<16xi1>, vector<16xf32>
      %jit3A_574 = arith.constant 13 : i32
      %broadcast_in_dim3A_575 = vector.broadcast %jit3A_574 : i32 to vector<16xi32>
      %select_n3A_576 = arith.select %and3A_571, %broadcast_in_dim3A_575, %select_n3A_562 : vector<16xi1>, vector<16xi32>
      %select_n3A_577 = arith.select %gt3A_567, %select_n3A_566, %select_n3A_576 : vector<16xi1>, vector<16xi32>
      %select_n3A_578 = arith.select %gt3A_567, %gather3A_380, %select_n3A_563 : vector<16xi1>, vector<16xf32>
      %jit3A_579 = arith.constant 13 : i32
      %broadcast_in_dim3A_580 = vector.broadcast %jit3A_579 : i32 to vector<16xi32>
      %select_n3A_581 = arith.select %gt3A_567, %broadcast_in_dim3A_580, %select_n3A_566 : vector<16xi1>, vector<16xi32>
      %gt3A_582 = arith.cmpf ogt, %gather3A_383, %select_n3A_578 : vector<16xf32>
      %not3A_583 = arith.constant dense<true> : vector<16xi1>
      %not3A_584 = arith.xori %gt3A_582, %not3A_583 : vector<16xi1>
      %gt3A_585 = arith.cmpf ogt, %gather3A_383, %select_n3A_573 : vector<16xf32>
      %and3A_586 = arith.andi %not3A_584, %gt3A_585 : vector<16xi1>
      %select_n3A_587 = arith.select %and3A_586, %gather3A_383, %select_n3A_573 : vector<16xi1>, vector<16xf32>
      %select_n3A_588 = arith.select %gt3A_582, %select_n3A_578, %select_n3A_587 : vector<16xi1>, vector<16xf32>
      %jit3A_589 = arith.constant 14 : i32
      %broadcast_in_dim3A_590 = vector.broadcast %jit3A_589 : i32 to vector<16xi32>
      %select_n3A_591 = arith.select %and3A_586, %broadcast_in_dim3A_590, %select_n3A_577 : vector<16xi1>, vector<16xi32>
      %select_n3A_592 = arith.select %gt3A_582, %select_n3A_581, %select_n3A_591 : vector<16xi1>, vector<16xi32>
      %select_n3A_593 = arith.select %gt3A_582, %gather3A_383, %select_n3A_578 : vector<16xi1>, vector<16xf32>
      %jit3A_594 = arith.constant 14 : i32
      %broadcast_in_dim3A_595 = vector.broadcast %jit3A_594 : i32 to vector<16xi32>
      %select_n3A_596 = arith.select %gt3A_582, %broadcast_in_dim3A_595, %select_n3A_581 : vector<16xi1>, vector<16xi32>
      %gt3A_597 = arith.cmpf ogt, %gather3A_386, %select_n3A_593 : vector<16xf32>
      %not3A_598 = arith.constant dense<true> : vector<16xi1>
      %not3A_599 = arith.xori %gt3A_597, %not3A_598 : vector<16xi1>
      %gt3A_600 = arith.cmpf ogt, %gather3A_386, %select_n3A_588 : vector<16xf32>
      %and3A_601 = arith.andi %not3A_599, %gt3A_600 : vector<16xi1>
      %select_n3A_602 = arith.select %and3A_601, %gather3A_386, %select_n3A_588 : vector<16xi1>, vector<16xf32>
      %select_n3A_603 = arith.select %gt3A_597, %select_n3A_593, %select_n3A_602 : vector<16xi1>, vector<16xf32>
      %jit3A_604 = arith.constant 15 : i32
      %broadcast_in_dim3A_605 = vector.broadcast %jit3A_604 : i32 to vector<16xi32>
      %select_n3A_606 = arith.select %and3A_601, %broadcast_in_dim3A_605, %select_n3A_592 : vector<16xi1>, vector<16xi32>
      %select_n3A_607 = arith.select %gt3A_597, %select_n3A_596, %select_n3A_606 : vector<16xi1>, vector<16xi32>
      %select_n3A_608 = arith.select %gt3A_597, %gather3A_386, %select_n3A_593 : vector<16xi1>, vector<16xf32>
      %jit3A_609 = arith.constant 15 : i32
      %broadcast_in_dim3A_610 = vector.broadcast %jit3A_609 : i32 to vector<16xi32>
      %select_n3A_611 = arith.select %gt3A_597, %broadcast_in_dim3A_610, %select_n3A_596 : vector<16xi1>, vector<16xi32>
      %sub3A = arith.subf %gather3A, %select_n3A_608 : vector<16xf32>
      %exp3A = math.exp %sub3A : vector<16xf32>
      %add3A_612 = arith.addf %broadcast_in_dim3A_3, %exp3A : vector<16xf32>
      %sub3A_613 = arith.subf %gather3A_344, %select_n3A_608 : vector<16xf32>
      %exp3A_614 = math.exp %sub3A_613 : vector<16xf32>
      %add3A_615 = arith.addf %add3A_612, %exp3A_614 : vector<16xf32>
      %sub3A_616 = arith.subf %gather3A_347, %select_n3A_608 : vector<16xf32>
      %exp3A_617 = math.exp %sub3A_616 : vector<16xf32>
      %add3A_618 = arith.addf %add3A_615, %exp3A_617 : vector<16xf32>
      %sub3A_619 = arith.subf %gather3A_350, %select_n3A_608 : vector<16xf32>
      %exp3A_620 = math.exp %sub3A_619 : vector<16xf32>
      %add3A_621 = arith.addf %add3A_618, %exp3A_620 : vector<16xf32>
      %sub3A_622 = arith.subf %gather3A_353, %select_n3A_608 : vector<16xf32>
      %exp3A_623 = math.exp %sub3A_622 : vector<16xf32>
      %add3A_624 = arith.addf %add3A_621, %exp3A_623 : vector<16xf32>
      %sub3A_625 = arith.subf %gather3A_356, %select_n3A_608 : vector<16xf32>
      %exp3A_626 = math.exp %sub3A_625 : vector<16xf32>
      %add3A_627 = arith.addf %add3A_624, %exp3A_626 : vector<16xf32>
      %sub3A_628 = arith.subf %gather3A_359, %select_n3A_608 : vector<16xf32>
      %exp3A_629 = math.exp %sub3A_628 : vector<16xf32>
      %add3A_630 = arith.addf %add3A_627, %exp3A_629 : vector<16xf32>
      %sub3A_631 = arith.subf %gather3A_362, %select_n3A_608 : vector<16xf32>
      %exp3A_632 = math.exp %sub3A_631 : vector<16xf32>
      %add3A_633 = arith.addf %add3A_630, %exp3A_632 : vector<16xf32>
      %sub3A_634 = arith.subf %gather3A_365, %select_n3A_608 : vector<16xf32>
      %exp3A_635 = math.exp %sub3A_634 : vector<16xf32>
      %add3A_636 = arith.addf %add3A_633, %exp3A_635 : vector<16xf32>
      %sub3A_637 = arith.subf %gather3A_368, %select_n3A_608 : vector<16xf32>
      %exp3A_638 = math.exp %sub3A_637 : vector<16xf32>
      %add3A_639 = arith.addf %add3A_636, %exp3A_638 : vector<16xf32>
      %sub3A_640 = arith.subf %gather3A_371, %select_n3A_608 : vector<16xf32>
      %exp3A_641 = math.exp %sub3A_640 : vector<16xf32>
      %add3A_642 = arith.addf %add3A_639, %exp3A_641 : vector<16xf32>
      %sub3A_643 = arith.subf %gather3A_374, %select_n3A_608 : vector<16xf32>
      %exp3A_644 = math.exp %sub3A_643 : vector<16xf32>
      %add3A_645 = arith.addf %add3A_642, %exp3A_644 : vector<16xf32>
      %sub3A_646 = arith.subf %gather3A_377, %select_n3A_608 : vector<16xf32>
      %exp3A_647 = math.exp %sub3A_646 : vector<16xf32>
      %add3A_648 = arith.addf %add3A_645, %exp3A_647 : vector<16xf32>
      %sub3A_649 = arith.subf %gather3A_380, %select_n3A_608 : vector<16xf32>
      %exp3A_650 = math.exp %sub3A_649 : vector<16xf32>
      %add3A_651 = arith.addf %add3A_648, %exp3A_650 : vector<16xf32>
      %sub3A_652 = arith.subf %gather3A_383, %select_n3A_608 : vector<16xf32>
      %exp3A_653 = math.exp %sub3A_652 : vector<16xf32>
      %add3A_654 = arith.addf %add3A_651, %exp3A_653 : vector<16xf32>
      %sub3A_655 = arith.subf %gather3A_386, %select_n3A_608 : vector<16xf32>
      %exp3A_656 = math.exp %sub3A_655 : vector<16xf32>
      %add3A_657 = arith.addf %add3A_654, %exp3A_656 : vector<16xf32>
      %div3A = arith.constant 1.000000e+00 : f32
      %div3A_658 = vector.broadcast %div3A : f32 to vector<16xf32>
      %div3A_659 = arith.divf %div3A_658, %add3A_657 : vector<16xf32>
      %sub3A_660 = arith.subf %select_n3A_603, %select_n3A_608 : vector<16xf32>
      %exp3A_661 = math.exp %sub3A_660 : vector<16xf32>
      %add3A_662 = arith.constant 1.000000e+00 : f32
      %add3A_663 = vector.broadcast %add3A_662 : f32 to vector<16xf32>
      %add3A_664 = arith.addf %add3A_663, %exp3A_661 : vector<16xf32>
      %div3A_665 = arith.constant 1.000000e+00 : f32
      %div3A_666 = vector.broadcast %div3A_665 : f32 to vector<16xf32>
      %div3A_667 = arith.divf %div3A_666, %add3A_664 : vector<16xf32>
      %mul3A_668 = arith.mulf %exp3A_661, %div3A_667 : vector<16xf32>
      %gt3A_669 = arith.constant 0.000000e+00 : f32
      %gt3A_670 = vector.broadcast %gt3A_669 : f32 to vector<16xf32>
      %gt3A_671 = arith.cmpf ogt, %mul3A_668, %gt3A_670 : vector<16xf32>
      %sub3A_672 = arith.subf %gather3A, %select_n3A_608 : vector<16xf32>
      %exp3A_673 = math.exp %sub3A_672 : vector<16xf32>
      %mul3A_674 = arith.mulf %exp3A_673, %div3A_659 : vector<16xf32>
      %add3A_675 = arith.addf %scan3A_304, %mul3A_674 : vector<16xf32>
      %eq3A_676 = arith.constant 0 : i32
      %eq3A_677 = vector.broadcast %eq3A_676 : i32 to vector<16xi32>
      %eq3A_678 = arith.cmpi eq, %select_n3A_611, %eq3A_677 : vector<16xi32>
      %eq3A_679 = arith.constant 0 : i32
      %eq3A_680 = vector.broadcast %eq3A_679 : i32 to vector<16xi32>
      %eq3A_681 = arith.cmpi eq, %select_n3A_607, %eq3A_680 : vector<16xi32>
      %jit3A_682 = arith.constant 0.000000e+00 : f32
      %broadcast_in_dim3A_683 = vector.broadcast %jit3A_682 : f32 to vector<16xf32>
      %select_n3A_684 = arith.select %eq3A_681, %mul3A_668, %broadcast_in_dim3A_683 : vector<16xi1>, vector<16xf32>
      %select_n3A_685 = arith.select %eq3A_678, %div3A_667, %select_n3A_684 : vector<16xi1>, vector<16xf32>
      %and3A_686 = arith.andi %eq3A_681, %gt3A_671 : vector<16xi1>
      %or3A = arith.ori %eq3A_678, %and3A_686 : vector<16xi1>
      %jit3A_687 = arith.constant 1.000000e+00 : f32
      %jit3A_688 = arith.constant 0.000000e+00 : f32
      %broadcast_in_dim3A_689 = vector.broadcast %jit3A_687 : f32 to vector<16xf32>
      %broadcast_in_dim3A_690 = vector.broadcast %jit3A_688 : f32 to vector<16xf32>
      %select_n3A_691 = arith.select %or3A, %broadcast_in_dim3A_689, %broadcast_in_dim3A_690 : vector<16xi1>, vector<16xf32>
      %add3A_692 = arith.addf %scan3A_320, %select_n3A_691 : vector<16xf32>
      %broadcast_in_dim3A_693 = arith.constant 0 : i32
      %broadcast_in_dim3A_694 = vector.broadcast %broadcast_in_dim3A_693 : i32 to vector<16xi32>
      tpu.vector_store_idx %arg7[%add3A_339, %broadcast_in_dim3A_694], %select_n3A_685 : memref<512x16xf32, #tpu.memory_space<vmem>>[vector<16xi32>, vector<16xi32>], vector<16xf32>,
      %sub3A_695 = arith.subf %gather3A_344, %select_n3A_608 : vector<16xf32>
      %exp3A_696 = math.exp %sub3A_695 : vector<16xf32>
      %mul3A_697 = arith.mulf %exp3A_696, %div3A_659 : vector<16xf32>
      %add3A_698 = arith.addf %scan3A_305, %mul3A_697 : vector<16xf32>
      %eq3A_699 = arith.constant 1 : i32
      %eq3A_700 = vector.broadcast %eq3A_699 : i32 to vector<16xi32>
      %eq3A_701 = arith.cmpi eq, %select_n3A_611, %eq3A_700 : vector<16xi32>
      %eq3A_702 = arith.constant 1 : i32
      %eq3A_703 = vector.broadcast %eq3A_702 : i32 to vector<16xi32>
      %eq3A_704 = arith.cmpi eq, %select_n3A_607, %eq3A_703 : vector<16xi32>
      %jit3A_705 = arith.constant 0.000000e+00 : f32
      %broadcast_in_dim3A_706 = vector.broadcast %jit3A_705 : f32 to vector<16xf32>
      %select_n3A_707 = arith.select %eq3A_704, %mul3A_668, %broadcast_in_dim3A_706 : vector<16xi1>, vector<16xf32>
      %select_n3A_708 = arith.select %eq3A_701, %div3A_667, %select_n3A_707 : vector<16xi1>, vector<16xf32>
      %and3A_709 = arith.andi %eq3A_704, %gt3A_671 : vector<16xi1>
      %or3A_710 = arith.ori %eq3A_701, %and3A_709 : vector<16xi1>
      %jit3A_711 = arith.constant 1.000000e+00 : f32
      %jit3A_712 = arith.constant 0.000000e+00 : f32
      %broadcast_in_dim3A_713 = vector.broadcast %jit3A_711 : f32 to vector<16xf32>
      %broadcast_in_dim3A_714 = vector.broadcast %jit3A_712 : f32 to vector<16xf32>
      %select_n3A_715 = arith.select %or3A_710, %broadcast_in_dim3A_713, %broadcast_in_dim3A_714 : vector<16xi1>, vector<16xf32>
      %add3A_716 = arith.addf %scan3A_321, %select_n3A_715 : vector<16xf32>
      %broadcast_in_dim3A_717 = arith.constant 1 : i32
      %broadcast_in_dim3A_718 = vector.broadcast %broadcast_in_dim3A_717 : i32 to vector<16xi32>
      tpu.vector_store_idx %arg7[%add3A_339, %broadcast_in_dim3A_718], %select_n3A_708 : memref<512x16xf32, #tpu.memory_space<vmem>>[vector<16xi32>, vector<16xi32>], vector<16xf32>,
      %sub3A_719 = arith.subf %gather3A_347, %select_n3A_608 : vector<16xf32>
      %exp3A_720 = math.exp %sub3A_719 : vector<16xf32>
      %mul3A_721 = arith.mulf %exp3A_720, %div3A_659 : vector<16xf32>
      %add3A_722 = arith.addf %scan3A_306, %mul3A_721 : vector<16xf32>
      %eq3A_723 = arith.constant 2 : i32
      %eq3A_724 = vector.broadcast %eq3A_723 : i32 to vector<16xi32>
      %eq3A_725 = arith.cmpi eq, %select_n3A_611, %eq3A_724 : vector<16xi32>
      %eq3A_726 = arith.constant 2 : i32
      %eq3A_727 = vector.broadcast %eq3A_726 : i32 to vector<16xi32>
      %eq3A_728 = arith.cmpi eq, %select_n3A_607, %eq3A_727 : vector<16xi32>
      %jit3A_729 = arith.constant 0.000000e+00 : f32
      %broadcast_in_dim3A_730 = vector.broadcast %jit3A_729 : f32 to vector<16xf32>
      %select_n3A_731 = arith.select %eq3A_728, %mul3A_668, %broadcast_in_dim3A_730 : vector<16xi1>, vector<16xf32>
      %select_n3A_732 = arith.select %eq3A_725, %div3A_667, %select_n3A_731 : vector<16xi1>, vector<16xf32>
      %and3A_733 = arith.andi %eq3A_728, %gt3A_671 : vector<16xi1>
      %or3A_734 = arith.ori %eq3A_725, %and3A_733 : vector<16xi1>
      %jit3A_735 = arith.constant 1.000000e+00 : f32
      %jit3A_736 = arith.constant 0.000000e+00 : f32
      %broadcast_in_dim3A_737 = vector.broadcast %jit3A_735 : f32 to vector<16xf32>
      %broadcast_in_dim3A_738 = vector.broadcast %jit3A_736 : f32 to vector<16xf32>
      %select_n3A_739 = arith.select %or3A_734, %broadcast_in_dim3A_737, %broadcast_in_dim3A_738 : vector<16xi1>, vector<16xf32>
      %add3A_740 = arith.addf %scan3A_322, %select_n3A_739 : vector<16xf32>
      %broadcast_in_dim3A_741 = arith.constant 2 : i32
      %broadcast_in_dim3A_742 = vector.broadcast %broadcast_in_dim3A_741 : i32 to vector<16xi32>
      tpu.vector_store_idx %arg7[%add3A_339, %broadcast_in_dim3A_742], %select_n3A_732 : memref<512x16xf32, #tpu.memory_space<vmem>>[vector<16xi32>, vector<16xi32>], vector<16xf32>,
      %sub3A_743 = arith.subf %gather3A_350, %select_n3A_608 : vector<16xf32>
      %exp3A_744 = math.exp %sub3A_743 : vector<16xf32>
      %mul3A_745 = arith.mulf %exp3A_744, %div3A_659 : vector<16xf32>
      %add3A_746 = arith.addf %scan3A_307, %mul3A_745 : vector<16xf32>
      %eq3A_747 = arith.constant 3 : i32
      %eq3A_748 = vector.broadcast %eq3A_747 : i32 to vector<16xi32>
      %eq3A_749 = arith.cmpi eq, %select_n3A_611, %eq3A_748 : vector<16xi32>
      %eq3A_750 = arith.constant 3 : i32
      %eq3A_751 = vector.broadcast %eq3A_750 : i32 to vector<16xi32>
      %eq3A_752 = arith.cmpi eq, %select_n3A_607, %eq3A_751 : vector<16xi32>
      %jit3A_753 = arith.constant 0.000000e+00 : f32
      %broadcast_in_dim3A_754 = vector.broadcast %jit3A_753 : f32 to vector<16xf32>
      %select_n3A_755 = arith.select %eq3A_752, %mul3A_668, %broadcast_in_dim3A_754 : vector<16xi1>, vector<16xf32>
      %select_n3A_756 = arith.select %eq3A_749, %div3A_667, %select_n3A_755 : vector<16xi1>, vector<16xf32>
      %and3A_757 = arith.andi %eq3A_752, %gt3A_671 : vector<16xi1>
      %or3A_758 = arith.ori %eq3A_749, %and3A_757 : vector<16xi1>
      %jit3A_759 = arith.constant 1.000000e+00 : f32
      %jit3A_760 = arith.constant 0.000000e+00 : f32
      %broadcast_in_dim3A_761 = vector.broadcast %jit3A_759 : f32 to vector<16xf32>
      %broadcast_in_dim3A_762 = vector.broadcast %jit3A_760 : f32 to vector<16xf32>
      %select_n3A_763 = arith.select %or3A_758, %broadcast_in_dim3A_761, %broadcast_in_dim3A_762 : vector<16xi1>, vector<16xf32>
      %add3A_764 = arith.addf %scan3A_323, %select_n3A_763 : vector<16xf32>
      %broadcast_in_dim3A_765 = arith.constant 3 : i32
      %broadcast_in_dim3A_766 = vector.broadcast %broadcast_in_dim3A_765 : i32 to vector<16xi32>
      tpu.vector_store_idx %arg7[%add3A_339, %broadcast_in_dim3A_766], %select_n3A_756 : memref<512x16xf32, #tpu.memory_space<vmem>>[vector<16xi32>, vector<16xi32>], vector<16xf32>,
      %sub3A_767 = arith.subf %gather3A_353, %select_n3A_608 : vector<16xf32>
      %exp3A_768 = math.exp %sub3A_767 : vector<16xf32>
      %mul3A_769 = arith.mulf %exp3A_768, %div3A_659 : vector<16xf32>
      %add3A_770 = arith.addf %scan3A_308, %mul3A_769 : vector<16xf32>
      %eq3A_771 = arith.constant 4 : i32
      %eq3A_772 = vector.broadcast %eq3A_771 : i32 to vector<16xi32>
      %eq3A_773 = arith.cmpi eq, %select_n3A_611, %eq3A_772 : vector<16xi32>
      %eq3A_774 = arith.constant 4 : i32
      %eq3A_775 = vector.broadcast %eq3A_774 : i32 to vector<16xi32>
      %eq3A_776 = arith.cmpi eq, %select_n3A_607, %eq3A_775 : vector<16xi32>
      %jit3A_777 = arith.constant 0.000000e+00 : f32
      %broadcast_in_dim3A_778 = vector.broadcast %jit3A_777 : f32 to vector<16xf32>
      %select_n3A_779 = arith.select %eq3A_776, %mul3A_668, %broadcast_in_dim3A_778 : vector<16xi1>, vector<16xf32>
      %select_n3A_780 = arith.select %eq3A_773, %div3A_667, %select_n3A_779 : vector<16xi1>, vector<16xf32>
      %and3A_781 = arith.andi %eq3A_776, %gt3A_671 : vector<16xi1>
      %or3A_782 = arith.ori %eq3A_773, %and3A_781 : vector<16xi1>
      %jit3A_783 = arith.constant 1.000000e+00 : f32
      %jit3A_784 = arith.constant 0.000000e+00 : f32
      %broadcast_in_dim3A_785 = vector.broadcast %jit3A_783 : f32 to vector<16xf32>
      %broadcast_in_dim3A_786 = vector.broadcast %jit3A_784 : f32 to vector<16xf32>
      %select_n3A_787 = arith.select %or3A_782, %broadcast_in_dim3A_785, %broadcast_in_dim3A_786 : vector<16xi1>, vector<16xf32>
      %add3A_788 = arith.addf %scan3A_324, %select_n3A_787 : vector<16xf32>
      %broadcast_in_dim3A_789 = arith.constant 4 : i32
      %broadcast_in_dim3A_790 = vector.broadcast %broadcast_in_dim3A_789 : i32 to vector<16xi32>
      tpu.vector_store_idx %arg7[%add3A_339, %broadcast_in_dim3A_790], %select_n3A_780 : memref<512x16xf32, #tpu.memory_space<vmem>>[vector<16xi32>, vector<16xi32>], vector<16xf32>,
      %sub3A_791 = arith.subf %gather3A_356, %select_n3A_608 : vector<16xf32>
      %exp3A_792 = math.exp %sub3A_791 : vector<16xf32>
      %mul3A_793 = arith.mulf %exp3A_792, %div3A_659 : vector<16xf32>
      %add3A_794 = arith.addf %scan3A_309, %mul3A_793 : vector<16xf32>
      %eq3A_795 = arith.constant 5 : i32
      %eq3A_796 = vector.broadcast %eq3A_795 : i32 to vector<16xi32>
      %eq3A_797 = arith.cmpi eq, %select_n3A_611, %eq3A_796 : vector<16xi32>
      %eq3A_798 = arith.constant 5 : i32
      %eq3A_799 = vector.broadcast %eq3A_798 : i32 to vector<16xi32>
      %eq3A_800 = arith.cmpi eq, %select_n3A_607, %eq3A_799 : vector<16xi32>
      %jit3A_801 = arith.constant 0.000000e+00 : f32
      %broadcast_in_dim3A_802 = vector.broadcast %jit3A_801 : f32 to vector<16xf32>
      %select_n3A_803 = arith.select %eq3A_800, %mul3A_668, %broadcast_in_dim3A_802 : vector<16xi1>, vector<16xf32>
      %select_n3A_804 = arith.select %eq3A_797, %div3A_667, %select_n3A_803 : vector<16xi1>, vector<16xf32>
      %and3A_805 = arith.andi %eq3A_800, %gt3A_671 : vector<16xi1>
      %or3A_806 = arith.ori %eq3A_797, %and3A_805 : vector<16xi1>
      %jit3A_807 = arith.constant 1.000000e+00 : f32
      %jit3A_808 = arith.constant 0.000000e+00 : f32
      %broadcast_in_dim3A_809 = vector.broadcast %jit3A_807 : f32 to vector<16xf32>
      %broadcast_in_dim3A_810 = vector.broadcast %jit3A_808 : f32 to vector<16xf32>
      %select_n3A_811 = arith.select %or3A_806, %broadcast_in_dim3A_809, %broadcast_in_dim3A_810 : vector<16xi1>, vector<16xf32>
      %add3A_812 = arith.addf %scan3A_325, %select_n3A_811 : vector<16xf32>
      %broadcast_in_dim3A_813 = arith.constant 5 : i32
      %broadcast_in_dim3A_814 = vector.broadcast %broadcast_in_dim3A_813 : i32 to vector<16xi32>
      tpu.vector_store_idx %arg7[%add3A_339, %broadcast_in_dim3A_814], %select_n3A_804 : memref<512x16xf32, #tpu.memory_space<vmem>>[vector<16xi32>, vector<16xi32>], vector<16xf32>,
      %sub3A_815 = arith.subf %gather3A_359, %select_n3A_608 : vector<16xf32>
      %exp3A_816 = math.exp %sub3A_815 : vector<16xf32>
      %mul3A_817 = arith.mulf %exp3A_816, %div3A_659 : vector<16xf32>
      %add3A_818 = arith.addf %scan3A_310, %mul3A_817 : vector<16xf32>
      %eq3A_819 = arith.constant 6 : i32
      %eq3A_820 = vector.broadcast %eq3A_819 : i32 to vector<16xi32>
      %eq3A_821 = arith.cmpi eq, %select_n3A_611, %eq3A_820 : vector<16xi32>
      %eq3A_822 = arith.constant 6 : i32
      %eq3A_823 = vector.broadcast %eq3A_822 : i32 to vector<16xi32>
      %eq3A_824 = arith.cmpi eq, %select_n3A_607, %eq3A_823 : vector<16xi32>
      %jit3A_825 = arith.constant 0.000000e+00 : f32
      %broadcast_in_dim3A_826 = vector.broadcast %jit3A_825 : f32 to vector<16xf32>
      %select_n3A_827 = arith.select %eq3A_824, %mul3A_668, %broadcast_in_dim3A_826 : vector<16xi1>, vector<16xf32>
      %select_n3A_828 = arith.select %eq3A_821, %div3A_667, %select_n3A_827 : vector<16xi1>, vector<16xf32>
      %and3A_829 = arith.andi %eq3A_824, %gt3A_671 : vector<16xi1>
      %or3A_830 = arith.ori %eq3A_821, %and3A_829 : vector<16xi1>
      %jit3A_831 = arith.constant 1.000000e+00 : f32
      %jit3A_832 = arith.constant 0.000000e+00 : f32
      %broadcast_in_dim3A_833 = vector.broadcast %jit3A_831 : f32 to vector<16xf32>
      %broadcast_in_dim3A_834 = vector.broadcast %jit3A_832 : f32 to vector<16xf32>
      %select_n3A_835 = arith.select %or3A_830, %broadcast_in_dim3A_833, %broadcast_in_dim3A_834 : vector<16xi1>, vector<16xf32>
      %add3A_836 = arith.addf %scan3A_326, %select_n3A_835 : vector<16xf32>
      %broadcast_in_dim3A_837 = arith.constant 6 : i32
      %broadcast_in_dim3A_838 = vector.broadcast %broadcast_in_dim3A_837 : i32 to vector<16xi32>
      tpu.vector_store_idx %arg7[%add3A_339, %broadcast_in_dim3A_838], %select_n3A_828 : memref<512x16xf32, #tpu.memory_space<vmem>>[vector<16xi32>, vector<16xi32>], vector<16xf32>,
      %sub3A_839 = arith.subf %gather3A_362, %select_n3A_608 : vector<16xf32>
      %exp3A_840 = math.exp %sub3A_839 : vector<16xf32>
      %mul3A_841 = arith.mulf %exp3A_840, %div3A_659 : vector<16xf32>
      %add3A_842 = arith.addf %scan3A_311, %mul3A_841 : vector<16xf32>
      %eq3A_843 = arith.constant 7 : i32
      %eq3A_844 = vector.broadcast %eq3A_843 : i32 to vector<16xi32>
      %eq3A_845 = arith.cmpi eq, %select_n3A_611, %eq3A_844 : vector<16xi32>
      %eq3A_846 = arith.constant 7 : i32
      %eq3A_847 = vector.broadcast %eq3A_846 : i32 to vector<16xi32>
      %eq3A_848 = arith.cmpi eq, %select_n3A_607, %eq3A_847 : vector<16xi32>
      %jit3A_849 = arith.constant 0.000000e+00 : f32
      %broadcast_in_dim3A_850 = vector.broadcast %jit3A_849 : f32 to vector<16xf32>
      %select_n3A_851 = arith.select %eq3A_848, %mul3A_668, %broadcast_in_dim3A_850 : vector<16xi1>, vector<16xf32>
      %select_n3A_852 = arith.select %eq3A_845, %div3A_667, %select_n3A_851 : vector<16xi1>, vector<16xf32>
      %and3A_853 = arith.andi %eq3A_848, %gt3A_671 : vector<16xi1>
      %or3A_854 = arith.ori %eq3A_845, %and3A_853 : vector<16xi1>
      %jit3A_855 = arith.constant 1.000000e+00 : f32
      %jit3A_856 = arith.constant 0.000000e+00 : f32
      %broadcast_in_dim3A_857 = vector.broadcast %jit3A_855 : f32 to vector<16xf32>
      %broadcast_in_dim3A_858 = vector.broadcast %jit3A_856 : f32 to vector<16xf32>
      %select_n3A_859 = arith.select %or3A_854, %broadcast_in_dim3A_857, %broadcast_in_dim3A_858 : vector<16xi1>, vector<16xf32>
      %add3A_860 = arith.addf %scan3A_327, %select_n3A_859 : vector<16xf32>
      %broadcast_in_dim3A_861 = arith.constant 7 : i32
      %broadcast_in_dim3A_862 = vector.broadcast %broadcast_in_dim3A_861 : i32 to vector<16xi32>
      tpu.vector_store_idx %arg7[%add3A_339, %broadcast_in_dim3A_862], %select_n3A_852 : memref<512x16xf32, #tpu.memory_space<vmem>>[vector<16xi32>, vector<16xi32>], vector<16xf32>,
      %sub3A_863 = arith.subf %gather3A_365, %select_n3A_608 : vector<16xf32>
      %exp3A_864 = math.exp %sub3A_863 : vector<16xf32>
      %mul3A_865 = arith.mulf %exp3A_864, %div3A_659 : vector<16xf32>
      %add3A_866 = arith.addf %scan3A_312, %mul3A_865 : vector<16xf32>
      %eq3A_867 = arith.constant 8 : i32
      %eq3A_868 = vector.broadcast %eq3A_867 : i32 to vector<16xi32>
      %eq3A_869 = arith.cmpi eq, %select_n3A_611, %eq3A_868 : vector<16xi32>
      %eq3A_870 = arith.constant 8 : i32
      %eq3A_871 = vector.broadcast %eq3A_870 : i32 to vector<16xi32>
      %eq3A_872 = arith.cmpi eq, %select_n3A_607, %eq3A_871 : vector<16xi32>
      %jit3A_873 = arith.constant 0.000000e+00 : f32
      %broadcast_in_dim3A_874 = vector.broadcast %jit3A_873 : f32 to vector<16xf32>
      %select_n3A_875 = arith.select %eq3A_872, %mul3A_668, %broadcast_in_dim3A_874 : vector<16xi1>, vector<16xf32>
      %select_n3A_876 = arith.select %eq3A_869, %div3A_667, %select_n3A_875 : vector<16xi1>, vector<16xf32>
      %and3A_877 = arith.andi %eq3A_872, %gt3A_671 : vector<16xi1>
      %or3A_878 = arith.ori %eq3A_869, %and3A_877 : vector<16xi1>
      %jit3A_879 = arith.constant 1.000000e+00 : f32
      %jit3A_880 = arith.constant 0.000000e+00 : f32
      %broadcast_in_dim3A_881 = vector.broadcast %jit3A_879 : f32 to vector<16xf32>
      %broadcast_in_dim3A_882 = vector.broadcast %jit3A_880 : f32 to vector<16xf32>
      %select_n3A_883 = arith.select %or3A_878, %broadcast_in_dim3A_881, %broadcast_in_dim3A_882 : vector<16xi1>, vector<16xf32>
      %add3A_884 = arith.addf %scan3A_328, %select_n3A_883 : vector<16xf32>
      %broadcast_in_dim3A_885 = arith.constant 8 : i32
      %broadcast_in_dim3A_886 = vector.broadcast %broadcast_in_dim3A_885 : i32 to vector<16xi32>
      tpu.vector_store_idx %arg7[%add3A_339, %broadcast_in_dim3A_886], %select_n3A_876 : memref<512x16xf32, #tpu.memory_space<vmem>>[vector<16xi32>, vector<16xi32>], vector<16xf32>,
      %sub3A_887 = arith.subf %gather3A_368, %select_n3A_608 : vector<16xf32>
      %exp3A_888 = math.exp %sub3A_887 : vector<16xf32>
      %mul3A_889 = arith.mulf %exp3A_888, %div3A_659 : vector<16xf32>
      %add3A_890 = arith.addf %scan3A_313, %mul3A_889 : vector<16xf32>
      %eq3A_891 = arith.constant 9 : i32
      %eq3A_892 = vector.broadcast %eq3A_891 : i32 to vector<16xi32>
      %eq3A_893 = arith.cmpi eq, %select_n3A_611, %eq3A_892 : vector<16xi32>
      %eq3A_894 = arith.constant 9 : i32
      %eq3A_895 = vector.broadcast %eq3A_894 : i32 to vector<16xi32>
      %eq3A_896 = arith.cmpi eq, %select_n3A_607, %eq3A_895 : vector<16xi32>
      %jit3A_897 = arith.constant 0.000000e+00 : f32
      %broadcast_in_dim3A_898 = vector.broadcast %jit3A_897 : f32 to vector<16xf32>
      %select_n3A_899 = arith.select %eq3A_896, %mul3A_668, %broadcast_in_dim3A_898 : vector<16xi1>, vector<16xf32>
      %select_n3A_900 = arith.select %eq3A_893, %div3A_667, %select_n3A_899 : vector<16xi1>, vector<16xf32>
      %and3A_901 = arith.andi %eq3A_896, %gt3A_671 : vector<16xi1>
      %or3A_902 = arith.ori %eq3A_893, %and3A_901 : vector<16xi1>
      %jit3A_903 = arith.constant 1.000000e+00 : f32
      %jit3A_904 = arith.constant 0.000000e+00 : f32
      %broadcast_in_dim3A_905 = vector.broadcast %jit3A_903 : f32 to vector<16xf32>
      %broadcast_in_dim3A_906 = vector.broadcast %jit3A_904 : f32 to vector<16xf32>
      %select_n3A_907 = arith.select %or3A_902, %broadcast_in_dim3A_905, %broadcast_in_dim3A_906 : vector<16xi1>, vector<16xf32>
      %add3A_908 = arith.addf %scan3A_329, %select_n3A_907 : vector<16xf32>
      %broadcast_in_dim3A_909 = arith.constant 9 : i32
      %broadcast_in_dim3A_910 = vector.broadcast %broadcast_in_dim3A_909 : i32 to vector<16xi32>
      tpu.vector_store_idx %arg7[%add3A_339, %broadcast_in_dim3A_910], %select_n3A_900 : memref<512x16xf32, #tpu.memory_space<vmem>>[vector<16xi32>, vector<16xi32>], vector<16xf32>,
      %sub3A_911 = arith.subf %gather3A_371, %select_n3A_608 : vector<16xf32>
      %exp3A_912 = math.exp %sub3A_911 : vector<16xf32>
      %mul3A_913 = arith.mulf %exp3A_912, %div3A_659 : vector<16xf32>
      %add3A_914 = arith.addf %scan3A_314, %mul3A_913 : vector<16xf32>
      %eq3A_915 = arith.constant 10 : i32
      %eq3A_916 = vector.broadcast %eq3A_915 : i32 to vector<16xi32>
      %eq3A_917 = arith.cmpi eq, %select_n3A_611, %eq3A_916 : vector<16xi32>
      %eq3A_918 = arith.constant 10 : i32
      %eq3A_919 = vector.broadcast %eq3A_918 : i32 to vector<16xi32>
      %eq3A_920 = arith.cmpi eq, %select_n3A_607, %eq3A_919 : vector<16xi32>
      %jit3A_921 = arith.constant 0.000000e+00 : f32
      %broadcast_in_dim3A_922 = vector.broadcast %jit3A_921 : f32 to vector<16xf32>
      %select_n3A_923 = arith.select %eq3A_920, %mul3A_668, %broadcast_in_dim3A_922 : vector<16xi1>, vector<16xf32>
      %select_n3A_924 = arith.select %eq3A_917, %div3A_667, %select_n3A_923 : vector<16xi1>, vector<16xf32>
      %and3A_925 = arith.andi %eq3A_920, %gt3A_671 : vector<16xi1>
      %or3A_926 = arith.ori %eq3A_917, %and3A_925 : vector<16xi1>
      %jit3A_927 = arith.constant 1.000000e+00 : f32
      %jit3A_928 = arith.constant 0.000000e+00 : f32
      %broadcast_in_dim3A_929 = vector.broadcast %jit3A_927 : f32 to vector<16xf32>
      %broadcast_in_dim3A_930 = vector.broadcast %jit3A_928 : f32 to vector<16xf32>
      %select_n3A_931 = arith.select %or3A_926, %broadcast_in_dim3A_929, %broadcast_in_dim3A_930 : vector<16xi1>, vector<16xf32>
      %add3A_932 = arith.addf %scan3A_330, %select_n3A_931 : vector<16xf32>
      %broadcast_in_dim3A_933 = arith.constant 10 : i32
      %broadcast_in_dim3A_934 = vector.broadcast %broadcast_in_dim3A_933 : i32 to vector<16xi32>
      tpu.vector_store_idx %arg7[%add3A_339, %broadcast_in_dim3A_934], %select_n3A_924 : memref<512x16xf32, #tpu.memory_space<vmem>>[vector<16xi32>, vector<16xi32>], vector<16xf32>,
      %sub3A_935 = arith.subf %gather3A_374, %select_n3A_608 : vector<16xf32>
      %exp3A_936 = math.exp %sub3A_935 : vector<16xf32>
      %mul3A_937 = arith.mulf %exp3A_936, %div3A_659 : vector<16xf32>
      %add3A_938 = arith.addf %scan3A_315, %mul3A_937 : vector<16xf32>
      %eq3A_939 = arith.constant 11 : i32
      %eq3A_940 = vector.broadcast %eq3A_939 : i32 to vector<16xi32>
      %eq3A_941 = arith.cmpi eq, %select_n3A_611, %eq3A_940 : vector<16xi32>
      %eq3A_942 = arith.constant 11 : i32
      %eq3A_943 = vector.broadcast %eq3A_942 : i32 to vector<16xi32>
      %eq3A_944 = arith.cmpi eq, %select_n3A_607, %eq3A_943 : vector<16xi32>
      %jit3A_945 = arith.constant 0.000000e+00 : f32
      %broadcast_in_dim3A_946 = vector.broadcast %jit3A_945 : f32 to vector<16xf32>
      %select_n3A_947 = arith.select %eq3A_944, %mul3A_668, %broadcast_in_dim3A_946 : vector<16xi1>, vector<16xf32>
      %select_n3A_948 = arith.select %eq3A_941, %div3A_667, %select_n3A_947 : vector<16xi1>, vector<16xf32>
      %and3A_949 = arith.andi %eq3A_944, %gt3A_671 : vector<16xi1>
      %or3A_950 = arith.ori %eq3A_941, %and3A_949 : vector<16xi1>
      %jit3A_951 = arith.constant 1.000000e+00 : f32
      %jit3A_952 = arith.constant 0.000000e+00 : f32
      %broadcast_in_dim3A_953 = vector.broadcast %jit3A_951 : f32 to vector<16xf32>
      %broadcast_in_dim3A_954 = vector.broadcast %jit3A_952 : f32 to vector<16xf32>
      %select_n3A_955 = arith.select %or3A_950, %broadcast_in_dim3A_953, %broadcast_in_dim3A_954 : vector<16xi1>, vector<16xf32>
      %add3A_956 = arith.addf %scan3A_331, %select_n3A_955 : vector<16xf32>
      %broadcast_in_dim3A_957 = arith.constant 11 : i32
      %broadcast_in_dim3A_958 = vector.broadcast %broadcast_in_dim3A_957 : i32 to vector<16xi32>
      tpu.vector_store_idx %arg7[%add3A_339, %broadcast_in_dim3A_958], %select_n3A_948 : memref<512x16xf32, #tpu.memory_space<vmem>>[vector<16xi32>, vector<16xi32>], vector<16xf32>,
      %sub3A_959 = arith.subf %gather3A_377, %select_n3A_608 : vector<16xf32>
      %exp3A_960 = math.exp %sub3A_959 : vector<16xf32>
      %mul3A_961 = arith.mulf %exp3A_960, %div3A_659 : vector<16xf32>
      %add3A_962 = arith.addf %scan3A_316, %mul3A_961 : vector<16xf32>
      %eq3A_963 = arith.constant 12 : i32
      %eq3A_964 = vector.broadcast %eq3A_963 : i32 to vector<16xi32>
      %eq3A_965 = arith.cmpi eq, %select_n3A_611, %eq3A_964 : vector<16xi32>
      %eq3A_966 = arith.constant 12 : i32
      %eq3A_967 = vector.broadcast %eq3A_966 : i32 to vector<16xi32>
      %eq3A_968 = arith.cmpi eq, %select_n3A_607, %eq3A_967 : vector<16xi32>
      %jit3A_969 = arith.constant 0.000000e+00 : f32
      %broadcast_in_dim3A_970 = vector.broadcast %jit3A_969 : f32 to vector<16xf32>
      %select_n3A_971 = arith.select %eq3A_968, %mul3A_668, %broadcast_in_dim3A_970 : vector<16xi1>, vector<16xf32>
      %select_n3A_972 = arith.select %eq3A_965, %div3A_667, %select_n3A_971 : vector<16xi1>, vector<16xf32>
      %and3A_973 = arith.andi %eq3A_968, %gt3A_671 : vector<16xi1>
      %or3A_974 = arith.ori %eq3A_965, %and3A_973 : vector<16xi1>
      %jit3A_975 = arith.constant 1.000000e+00 : f32
      %jit3A_976 = arith.constant 0.000000e+00 : f32
      %broadcast_in_dim3A_977 = vector.broadcast %jit3A_975 : f32 to vector<16xf32>
      %broadcast_in_dim3A_978 = vector.broadcast %jit3A_976 : f32 to vector<16xf32>
      %select_n3A_979 = arith.select %or3A_974, %broadcast_in_dim3A_977, %broadcast_in_dim3A_978 : vector<16xi1>, vector<16xf32>
      %add3A_980 = arith.addf %scan3A_332, %select_n3A_979 : vector<16xf32>
      %broadcast_in_dim3A_981 = arith.constant 12 : i32
      %broadcast_in_dim3A_982 = vector.broadcast %broadcast_in_dim3A_981 : i32 to vector<16xi32>
      tpu.vector_store_idx %arg7[%add3A_339, %broadcast_in_dim3A_982], %select_n3A_972 : memref<512x16xf32, #tpu.memory_space<vmem>>[vector<16xi32>, vector<16xi32>], vector<16xf32>,
      %sub3A_983 = arith.subf %gather3A_380, %select_n3A_608 : vector<16xf32>
      %exp3A_984 = math.exp %sub3A_983 : vector<16xf32>
      %mul3A_985 = arith.mulf %exp3A_984, %div3A_659 : vector<16xf32>
      %add3A_986 = arith.addf %scan3A_317, %mul3A_985 : vector<16xf32>
      %eq3A_987 = arith.constant 13 : i32
      %eq3A_988 = vector.broadcast %eq3A_987 : i32 to vector<16xi32>
      %eq3A_989 = arith.cmpi eq, %select_n3A_611, %eq3A_988 : vector<16xi32>
      %eq3A_990 = arith.constant 13 : i32
      %eq3A_991 = vector.broadcast %eq3A_990 : i32 to vector<16xi32>
      %eq3A_992 = arith.cmpi eq, %select_n3A_607, %eq3A_991 : vector<16xi32>
      %jit3A_993 = arith.constant 0.000000e+00 : f32
      %broadcast_in_dim3A_994 = vector.broadcast %jit3A_993 : f32 to vector<16xf32>
      %select_n3A_995 = arith.select %eq3A_992, %mul3A_668, %broadcast_in_dim3A_994 : vector<16xi1>, vector<16xf32>
      %select_n3A_996 = arith.select %eq3A_989, %div3A_667, %select_n3A_995 : vector<16xi1>, vector<16xf32>
      %and3A_997 = arith.andi %eq3A_992, %gt3A_671 : vector<16xi1>
      %or3A_998 = arith.ori %eq3A_989, %and3A_997 : vector<16xi1>
      %jit3A_999 = arith.constant 1.000000e+00 : f32
      %jit3A_1000 = arith.constant 0.000000e+00 : f32
      %broadcast_in_dim3A_1001 = vector.broadcast %jit3A_999 : f32 to vector<16xf32>
      %broadcast_in_dim3A_1002 = vector.broadcast %jit3A_1000 : f32 to vector<16xf32>
      %select_n3A_1003 = arith.select %or3A_998, %broadcast_in_dim3A_1001, %broadcast_in_dim3A_1002 : vector<16xi1>, vector<16xf32>
      %add3A_1004 = arith.addf %scan3A_333, %select_n3A_1003 : vector<16xf32>
      %broadcast_in_dim3A_1005 = arith.constant 13 : i32
      %broadcast_in_dim3A_1006 = vector.broadcast %broadcast_in_dim3A_1005 : i32 to vector<16xi32>
      tpu.vector_store_idx %arg7[%add3A_339, %broadcast_in_dim3A_1006], %select_n3A_996 : memref<512x16xf32, #tpu.memory_space<vmem>>[vector<16xi32>, vector<16xi32>], vector<16xf32>,
      %sub3A_1007 = arith.subf %gather3A_383, %select_n3A_608 : vector<16xf32>
      %exp3A_1008 = math.exp %sub3A_1007 : vector<16xf32>
      %mul3A_1009 = arith.mulf %exp3A_1008, %div3A_659 : vector<16xf32>
      %add3A_1010 = arith.addf %scan3A_318, %mul3A_1009 : vector<16xf32>
      %eq3A_1011 = arith.constant 14 : i32
      %eq3A_1012 = vector.broadcast %eq3A_1011 : i32 to vector<16xi32>
      %eq3A_1013 = arith.cmpi eq, %select_n3A_611, %eq3A_1012 : vector<16xi32>
      %eq3A_1014 = arith.constant 14 : i32
      %eq3A_1015 = vector.broadcast %eq3A_1014 : i32 to vector<16xi32>
      %eq3A_1016 = arith.cmpi eq, %select_n3A_607, %eq3A_1015 : vector<16xi32>
      %jit3A_1017 = arith.constant 0.000000e+00 : f32
      %broadcast_in_dim3A_1018 = vector.broadcast %jit3A_1017 : f32 to vector<16xf32>
      %select_n3A_1019 = arith.select %eq3A_1016, %mul3A_668, %broadcast_in_dim3A_1018 : vector<16xi1>, vector<16xf32>
      %select_n3A_1020 = arith.select %eq3A_1013, %div3A_667, %select_n3A_1019 : vector<16xi1>, vector<16xf32>
      %and3A_1021 = arith.andi %eq3A_1016, %gt3A_671 : vector<16xi1>
      %or3A_1022 = arith.ori %eq3A_1013, %and3A_1021 : vector<16xi1>
      %jit3A_1023 = arith.constant 1.000000e+00 : f32
      %jit3A_1024 = arith.constant 0.000000e+00 : f32
      %broadcast_in_dim3A_1025 = vector.broadcast %jit3A_1023 : f32 to vector<16xf32>
      %broadcast_in_dim3A_1026 = vector.broadcast %jit3A_1024 : f32 to vector<16xf32>
      %select_n3A_1027 = arith.select %or3A_1022, %broadcast_in_dim3A_1025, %broadcast_in_dim3A_1026 : vector<16xi1>, vector<16xf32>
      %add3A_1028 = arith.addf %scan3A_334, %select_n3A_1027 : vector<16xf32>
      %broadcast_in_dim3A_1029 = arith.constant 14 : i32
      %broadcast_in_dim3A_1030 = vector.broadcast %broadcast_in_dim3A_1029 : i32 to vector<16xi32>
      tpu.vector_store_idx %arg7[%add3A_339, %broadcast_in_dim3A_1030], %select_n3A_1020 : memref<512x16xf32, #tpu.memory_space<vmem>>[vector<16xi32>, vector<16xi32>], vector<16xf32>,
      %sub3A_1031 = arith.subf %gather3A_386, %select_n3A_608 : vector<16xf32>
      %exp3A_1032 = math.exp %sub3A_1031 : vector<16xf32>
      %mul3A_1033 = arith.mulf %exp3A_1032, %div3A_659 : vector<16xf32>
      %add3A_1034 = arith.addf %scan3A_319, %mul3A_1033 : vector<16xf32>
      %eq3A_1035 = arith.constant 15 : i32
      %eq3A_1036 = vector.broadcast %eq3A_1035 : i32 to vector<16xi32>
      %eq3A_1037 = arith.cmpi eq, %select_n3A_611, %eq3A_1036 : vector<16xi32>
      %eq3A_1038 = arith.constant 15 : i32
      %eq3A_1039 = vector.broadcast %eq3A_1038 : i32 to vector<16xi32>
      %eq3A_1040 = arith.cmpi eq, %select_n3A_607, %eq3A_1039 : vector<16xi32>
      %jit3A_1041 = arith.constant 0.000000e+00 : f32
      %broadcast_in_dim3A_1042 = vector.broadcast %jit3A_1041 : f32 to vector<16xf32>
      %select_n3A_1043 = arith.select %eq3A_1040, %mul3A_668, %broadcast_in_dim3A_1042 : vector<16xi1>, vector<16xf32>
      %select_n3A_1044 = arith.select %eq3A_1037, %div3A_667, %select_n3A_1043 : vector<16xi1>, vector<16xf32>
      %and3A_1045 = arith.andi %eq3A_1040, %gt3A_671 : vector<16xi1>
      %or3A_1046 = arith.ori %eq3A_1037, %and3A_1045 : vector<16xi1>
      %jit3A_1047 = arith.constant 1.000000e+00 : f32
      %jit3A_1048 = arith.constant 0.000000e+00 : f32
      %broadcast_in_dim3A_1049 = vector.broadcast %jit3A_1047 : f32 to vector<16xf32>
      %broadcast_in_dim3A_1050 = vector.broadcast %jit3A_1048 : f32 to vector<16xf32>
      %select_n3A_1051 = arith.select %or3A_1046, %broadcast_in_dim3A_1049, %broadcast_in_dim3A_1050 : vector<16xi1>, vector<16xf32>
      %add3A_1052 = arith.addf %scan3A_335, %select_n3A_1051 : vector<16xf32>
      %broadcast_in_dim3A_1053 = arith.constant 15 : i32
      %broadcast_in_dim3A_1054 = vector.broadcast %broadcast_in_dim3A_1053 : i32 to vector<16xi32>
      tpu.vector_store_idx %arg7[%add3A_339, %broadcast_in_dim3A_1054], %select_n3A_1044 : memref<512x16xf32, #tpu.memory_space<vmem>>[vector<16xi32>, vector<16xi32>], vector<16xf32>,
      scf.yield %add3A_675, %add3A_698, %add3A_722, %add3A_746, %add3A_770, %add3A_794, %add3A_818, %add3A_842, %add3A_866, %add3A_890, %add3A_914, %add3A_938, %add3A_962, %add3A_986, %add3A_1010, %add3A_1034, %add3A_692, %add3A_716, %add3A_740, %add3A_764, %add3A_788, %add3A_812, %add3A_836, %add3A_860, %add3A_884, %add3A_908, %add3A_932, %add3A_956, %add3A_980, %add3A_1004, %add3A_1028, %add3A_1052 : vector<16xf32>, vector<16xf32>, vector<16xf32>, vector<16xf32>, vector<16xf32>, vector<16xf32>, vector<16xf32>, vector<16xf32>, vector<16xf32>, vector<16xf32>, vector<16xf32>, vector<16xf32>, vector<16xf32>, vector<16xf32>, vector<16xf32>, vector<16xf32>, vector<16xf32>, vector<16xf32>, vector<16xf32>, vector<16xf32>, vector<16xf32>, vector<16xf32>, vector<16xf32>, vector<16xf32>, vector<16xf32>, vector<16xf32>, vector<16xf32>, vector<16xf32>, vector<16xf32>, vector<16xf32>, vector<16xf32>, vector<16xf32>
    }
    %scan3A_10 = arith.constant 32 : i32
    "tpu.region"() ({
      %run_scoped3A = tpu.sem_alloc : memref<!tpu.dma_semaphore, #tpu.memory_space<semaphore_mem>>
      %dma_start3A = arith.constant 0 : i32
      %dma_start3A_303 = tpu.memref_slice %arg3[%mul3A_2, %dma_start3A] : memref<16384x128xf32, #tpu.memory_space<hbm>> -> memref<512x16xf32, #tpu.memory_space<hbm>>
      %dma_start3A_304 = arith.constant 0 : i32
      %dma_start3A_305 = tpu.memref_slice %arg3[%mul3A_2, %dma_start3A_304] : memref<16384x128xf32, #tpu.memory_space<hbm>> -> memref<512x16xf32, #tpu.memory_space<hbm>>
      tpu.enqueue_dma source(%arg7 : memref<512x16xf32, #tpu.memory_space<vmem>>) target(%dma_start3A_305 : memref<512x16xf32, #tpu.memory_space<hbm>>) target_semaphore(%run_scoped3A : memref<!tpu.dma_semaphore, #tpu.memory_space<semaphore_mem>>)
      %dma_wait3A = arith.constant 0 : i32
      %dma_wait3A_306 = tpu.memref_slice %arg3[%mul3A_2, %dma_wait3A] : memref<16384x128xf32, #tpu.memory_space<hbm>> -> memref<512x16xf32, #tpu.memory_space<hbm>>
      %dma_wait3A_307 = arith.constant 0 : i32
      %dma_wait3A_308 = tpu.memref_slice %arg3[%mul3A_2, %dma_wait3A_307] : memref<16384x128xf32, #tpu.memory_space<hbm>> -> memref<512x16xf32, #tpu.memory_space<hbm>>
      tpu.wait_dma2 semaphore(%run_scoped3A : memref<!tpu.dma_semaphore, #tpu.memory_space<semaphore_mem>>) src(%arg7 : memref<512x16xf32, #tpu.memory_space<vmem>>) dst(%dma_wait3A_308 : memref<512x16xf32, #tpu.memory_space<hbm>>)
      tpu.yield
    }) : () -> ()
    %eq3A = arith.constant 0 : i32
    %eq3A_11 = vector.broadcast %eq3A : i32 to vector<16xi32>
    %eq3A_12 = arith.cmpi eq, %iota3A, %eq3A_11 : vector<16xi32>
    %reduce_sum3A = arith.constant true
    %reduce_sum3A_13 = vector.broadcast %reduce_sum3A : i1 to vector<16xi1>
    %reduce_sum3A_14 = tpu.scan <sum>, %scan3A_9#0 masked %reduce_sum3A_13 : vector<16xf32>, vector<16xi1> -> vector<16xf32>
    %reduce_sum3A_15 = vector.extract %reduce_sum3A_14[15] : f32 from vector<16xf32>
    %broadcast_in_dim3A_16 = vector.broadcast %reduce_sum3A_15 : f32 to vector<16xf32>
    %select_n3A = arith.select %eq3A_12, %broadcast_in_dim3A_16, %broadcast_in_dim3A_3 : vector<16xi1>, vector<16xf32>
    %eq3A_17 = arith.constant 1 : i32
    %eq3A_18 = vector.broadcast %eq3A_17 : i32 to vector<16xi32>
    %eq3A_19 = arith.cmpi eq, %iota3A, %eq3A_18 : vector<16xi32>
    %reduce_sum3A_20 = arith.constant true
    %reduce_sum3A_21 = vector.broadcast %reduce_sum3A_20 : i1 to vector<16xi1>
    %reduce_sum3A_22 = tpu.scan <sum>, %scan3A_9#1 masked %reduce_sum3A_21 : vector<16xf32>, vector<16xi1> -> vector<16xf32>
    %reduce_sum3A_23 = vector.extract %reduce_sum3A_22[15] : f32 from vector<16xf32>
    %broadcast_in_dim3A_24 = vector.broadcast %reduce_sum3A_23 : f32 to vector<16xf32>
    %select_n3A_25 = arith.select %eq3A_19, %broadcast_in_dim3A_24, %select_n3A : vector<16xi1>, vector<16xf32>
    %eq3A_26 = arith.constant 2 : i32
    %eq3A_27 = vector.broadcast %eq3A_26 : i32 to vector<16xi32>
    %eq3A_28 = arith.cmpi eq, %iota3A, %eq3A_27 : vector<16xi32>
    %reduce_sum3A_29 = arith.constant true
    %reduce_sum3A_30 = vector.broadcast %reduce_sum3A_29 : i1 to vector<16xi1>
    %reduce_sum3A_31 = tpu.scan <sum>, %scan3A_9#2 masked %reduce_sum3A_30 : vector<16xf32>, vector<16xi1> -> vector<16xf32>
    %reduce_sum3A_32 = vector.extract %reduce_sum3A_31[15] : f32 from vector<16xf32>
    %broadcast_in_dim3A_33 = vector.broadcast %reduce_sum3A_32 : f32 to vector<16xf32>
    %select_n3A_34 = arith.select %eq3A_28, %broadcast_in_dim3A_33, %select_n3A_25 : vector<16xi1>, vector<16xf32>
    %eq3A_35 = arith.constant 3 : i32
    %eq3A_36 = vector.broadcast %eq3A_35 : i32 to vector<16xi32>
    %eq3A_37 = arith.cmpi eq, %iota3A, %eq3A_36 : vector<16xi32>
    %reduce_sum3A_38 = arith.constant true
    %reduce_sum3A_39 = vector.broadcast %reduce_sum3A_38 : i1 to vector<16xi1>
    %reduce_sum3A_40 = tpu.scan <sum>, %scan3A_9#3 masked %reduce_sum3A_39 : vector<16xf32>, vector<16xi1> -> vector<16xf32>
    %reduce_sum3A_41 = vector.extract %reduce_sum3A_40[15] : f32 from vector<16xf32>
    %broadcast_in_dim3A_42 = vector.broadcast %reduce_sum3A_41 : f32 to vector<16xf32>
    %select_n3A_43 = arith.select %eq3A_37, %broadcast_in_dim3A_42, %select_n3A_34 : vector<16xi1>, vector<16xf32>
    %eq3A_44 = arith.constant 4 : i32
    %eq3A_45 = vector.broadcast %eq3A_44 : i32 to vector<16xi32>
    %eq3A_46 = arith.cmpi eq, %iota3A, %eq3A_45 : vector<16xi32>
    %reduce_sum3A_47 = arith.constant true
    %reduce_sum3A_48 = vector.broadcast %reduce_sum3A_47 : i1 to vector<16xi1>
    %reduce_sum3A_49 = tpu.scan <sum>, %scan3A_9#4 masked %reduce_sum3A_48 : vector<16xf32>, vector<16xi1> -> vector<16xf32>
    %reduce_sum3A_50 = vector.extract %reduce_sum3A_49[15] : f32 from vector<16xf32>
    %broadcast_in_dim3A_51 = vector.broadcast %reduce_sum3A_50 : f32 to vector<16xf32>
    %select_n3A_52 = arith.select %eq3A_46, %broadcast_in_dim3A_51, %select_n3A_43 : vector<16xi1>, vector<16xf32>
    %eq3A_53 = arith.constant 5 : i32
    %eq3A_54 = vector.broadcast %eq3A_53 : i32 to vector<16xi32>
    %eq3A_55 = arith.cmpi eq, %iota3A, %eq3A_54 : vector<16xi32>
    %reduce_sum3A_56 = arith.constant true
    %reduce_sum3A_57 = vector.broadcast %reduce_sum3A_56 : i1 to vector<16xi1>
    %reduce_sum3A_58 = tpu.scan <sum>, %scan3A_9#5 masked %reduce_sum3A_57 : vector<16xf32>, vector<16xi1> -> vector<16xf32>
    %reduce_sum3A_59 = vector.extract %reduce_sum3A_58[15] : f32 from vector<16xf32>
    %broadcast_in_dim3A_60 = vector.broadcast %reduce_sum3A_59 : f32 to vector<16xf32>
    %select_n3A_61 = arith.select %eq3A_55, %broadcast_in_dim3A_60, %select_n3A_52 : vector<16xi1>, vector<16xf32>
    %eq3A_62 = arith.constant 6 : i32
    %eq3A_63 = vector.broadcast %eq3A_62 : i32 to vector<16xi32>
    %eq3A_64 = arith.cmpi eq, %iota3A, %eq3A_63 : vector<16xi32>
    %reduce_sum3A_65 = arith.constant true
    %reduce_sum3A_66 = vector.broadcast %reduce_sum3A_65 : i1 to vector<16xi1>
    %reduce_sum3A_67 = tpu.scan <sum>, %scan3A_9#6 masked %reduce_sum3A_66 : vector<16xf32>, vector<16xi1> -> vector<16xf32>
    %reduce_sum3A_68 = vector.extract %reduce_sum3A_67[15] : f32 from vector<16xf32>
    %broadcast_in_dim3A_69 = vector.broadcast %reduce_sum3A_68 : f32 to vector<16xf32>
    %select_n3A_70 = arith.select %eq3A_64, %broadcast_in_dim3A_69, %select_n3A_61 : vector<16xi1>, vector<16xf32>
    %eq3A_71 = arith.constant 7 : i32
    %eq3A_72 = vector.broadcast %eq3A_71 : i32 to vector<16xi32>
    %eq3A_73 = arith.cmpi eq, %iota3A, %eq3A_72 : vector<16xi32>
    %reduce_sum3A_74 = arith.constant true
    %reduce_sum3A_75 = vector.broadcast %reduce_sum3A_74 : i1 to vector<16xi1>
    %reduce_sum3A_76 = tpu.scan <sum>, %scan3A_9#7 masked %reduce_sum3A_75 : vector<16xf32>, vector<16xi1> -> vector<16xf32>
    %reduce_sum3A_77 = vector.extract %reduce_sum3A_76[15] : f32 from vector<16xf32>
    %broadcast_in_dim3A_78 = vector.broadcast %reduce_sum3A_77 : f32 to vector<16xf32>
    %select_n3A_79 = arith.select %eq3A_73, %broadcast_in_dim3A_78, %select_n3A_70 : vector<16xi1>, vector<16xf32>
    %eq3A_80 = arith.constant 8 : i32
    %eq3A_81 = vector.broadcast %eq3A_80 : i32 to vector<16xi32>
    %eq3A_82 = arith.cmpi eq, %iota3A, %eq3A_81 : vector<16xi32>
    %reduce_sum3A_83 = arith.constant true
    %reduce_sum3A_84 = vector.broadcast %reduce_sum3A_83 : i1 to vector<16xi1>
    %reduce_sum3A_85 = tpu.scan <sum>, %scan3A_9#8 masked %reduce_sum3A_84 : vector<16xf32>, vector<16xi1> -> vector<16xf32>
    %reduce_sum3A_86 = vector.extract %reduce_sum3A_85[15] : f32 from vector<16xf32>
    %broadcast_in_dim3A_87 = vector.broadcast %reduce_sum3A_86 : f32 to vector<16xf32>
    %select_n3A_88 = arith.select %eq3A_82, %broadcast_in_dim3A_87, %select_n3A_79 : vector<16xi1>, vector<16xf32>
    %eq3A_89 = arith.constant 9 : i32
    %eq3A_90 = vector.broadcast %eq3A_89 : i32 to vector<16xi32>
    %eq3A_91 = arith.cmpi eq, %iota3A, %eq3A_90 : vector<16xi32>
    %reduce_sum3A_92 = arith.constant true
    %reduce_sum3A_93 = vector.broadcast %reduce_sum3A_92 : i1 to vector<16xi1>
    %reduce_sum3A_94 = tpu.scan <sum>, %scan3A_9#9 masked %reduce_sum3A_93 : vector<16xf32>, vector<16xi1> -> vector<16xf32>
    %reduce_sum3A_95 = vector.extract %reduce_sum3A_94[15] : f32 from vector<16xf32>
    %broadcast_in_dim3A_96 = vector.broadcast %reduce_sum3A_95 : f32 to vector<16xf32>
    %select_n3A_97 = arith.select %eq3A_91, %broadcast_in_dim3A_96, %select_n3A_88 : vector<16xi1>, vector<16xf32>
    %eq3A_98 = arith.constant 10 : i32
    %eq3A_99 = vector.broadcast %eq3A_98 : i32 to vector<16xi32>
    %eq3A_100 = arith.cmpi eq, %iota3A, %eq3A_99 : vector<16xi32>
    %reduce_sum3A_101 = arith.constant true
    %reduce_sum3A_102 = vector.broadcast %reduce_sum3A_101 : i1 to vector<16xi1>
    %reduce_sum3A_103 = tpu.scan <sum>, %scan3A_9#10 masked %reduce_sum3A_102 : vector<16xf32>, vector<16xi1> -> vector<16xf32>
    %reduce_sum3A_104 = vector.extract %reduce_sum3A_103[15] : f32 from vector<16xf32>
    %broadcast_in_dim3A_105 = vector.broadcast %reduce_sum3A_104 : f32 to vector<16xf32>
    %select_n3A_106 = arith.select %eq3A_100, %broadcast_in_dim3A_105, %select_n3A_97 : vector<16xi1>, vector<16xf32>
    %eq3A_107 = arith.constant 11 : i32
    %eq3A_108 = vector.broadcast %eq3A_107 : i32 to vector<16xi32>
    %eq3A_109 = arith.cmpi eq, %iota3A, %eq3A_108 : vector<16xi32>
    %reduce_sum3A_110 = arith.constant true
    %reduce_sum3A_111 = vector.broadcast %reduce_sum3A_110 : i1 to vector<16xi1>
    %reduce_sum3A_112 = tpu.scan <sum>, %scan3A_9#11 masked %reduce_sum3A_111 : vector<16xf32>, vector<16xi1> -> vector<16xf32>
    %reduce_sum3A_113 = vector.extract %reduce_sum3A_112[15] : f32 from vector<16xf32>
    %broadcast_in_dim3A_114 = vector.broadcast %reduce_sum3A_113 : f32 to vector<16xf32>
    %select_n3A_115 = arith.select %eq3A_109, %broadcast_in_dim3A_114, %select_n3A_106 : vector<16xi1>, vector<16xf32>
    %eq3A_116 = arith.constant 12 : i32
    %eq3A_117 = vector.broadcast %eq3A_116 : i32 to vector<16xi32>
    %eq3A_118 = arith.cmpi eq, %iota3A, %eq3A_117 : vector<16xi32>
    %reduce_sum3A_119 = arith.constant true
    %reduce_sum3A_120 = vector.broadcast %reduce_sum3A_119 : i1 to vector<16xi1>
    %reduce_sum3A_121 = tpu.scan <sum>, %scan3A_9#12 masked %reduce_sum3A_120 : vector<16xf32>, vector<16xi1> -> vector<16xf32>
    %reduce_sum3A_122 = vector.extract %reduce_sum3A_121[15] : f32 from vector<16xf32>
    %broadcast_in_dim3A_123 = vector.broadcast %reduce_sum3A_122 : f32 to vector<16xf32>
    %select_n3A_124 = arith.select %eq3A_118, %broadcast_in_dim3A_123, %select_n3A_115 : vector<16xi1>, vector<16xf32>
    %eq3A_125 = arith.constant 13 : i32
    %eq3A_126 = vector.broadcast %eq3A_125 : i32 to vector<16xi32>
    %eq3A_127 = arith.cmpi eq, %iota3A, %eq3A_126 : vector<16xi32>
    %reduce_sum3A_128 = arith.constant true
    %reduce_sum3A_129 = vector.broadcast %reduce_sum3A_128 : i1 to vector<16xi1>
    %reduce_sum3A_130 = tpu.scan <sum>, %scan3A_9#13 masked %reduce_sum3A_129 : vector<16xf32>, vector<16xi1> -> vector<16xf32>
    %reduce_sum3A_131 = vector.extract %reduce_sum3A_130[15] : f32 from vector<16xf32>
    %broadcast_in_dim3A_132 = vector.broadcast %reduce_sum3A_131 : f32 to vector<16xf32>
    %select_n3A_133 = arith.select %eq3A_127, %broadcast_in_dim3A_132, %select_n3A_124 : vector<16xi1>, vector<16xf32>
    %eq3A_134 = arith.constant 14 : i32
    %eq3A_135 = vector.broadcast %eq3A_134 : i32 to vector<16xi32>
    %eq3A_136 = arith.cmpi eq, %iota3A, %eq3A_135 : vector<16xi32>
    %reduce_sum3A_137 = arith.constant true
    %reduce_sum3A_138 = vector.broadcast %reduce_sum3A_137 : i1 to vector<16xi1>
    %reduce_sum3A_139 = tpu.scan <sum>, %scan3A_9#14 masked %reduce_sum3A_138 : vector<16xf32>, vector<16xi1> -> vector<16xf32>
    %reduce_sum3A_140 = vector.extract %reduce_sum3A_139[15] : f32 from vector<16xf32>
    %broadcast_in_dim3A_141 = vector.broadcast %reduce_sum3A_140 : f32 to vector<16xf32>
    %select_n3A_142 = arith.select %eq3A_136, %broadcast_in_dim3A_141, %select_n3A_133 : vector<16xi1>, vector<16xf32>
    %eq3A_143 = arith.constant 15 : i32
    %eq3A_144 = vector.broadcast %eq3A_143 : i32 to vector<16xi32>
    %eq3A_145 = arith.cmpi eq, %iota3A, %eq3A_144 : vector<16xi32>
    %reduce_sum3A_146 = arith.constant true
    %reduce_sum3A_147 = vector.broadcast %reduce_sum3A_146 : i1 to vector<16xi1>
    %reduce_sum3A_148 = tpu.scan <sum>, %scan3A_9#15 masked %reduce_sum3A_147 : vector<16xf32>, vector<16xi1> -> vector<16xf32>
    %reduce_sum3A_149 = vector.extract %reduce_sum3A_148[15] : f32 from vector<16xf32>
    %broadcast_in_dim3A_150 = vector.broadcast %reduce_sum3A_149 : f32 to vector<16xf32>
    %select_n3A_151 = arith.select %eq3A_145, %broadcast_in_dim3A_150, %select_n3A_142 : vector<16xi1>, vector<16xf32>
    %swap3A = arith.constant 0 : index
    %swap3A_152 = tpu.vector_load %arg8[%swap3A] {strides = array<i32>} : memref<16xf32, #tpu.memory_space<vmem>>, vector<16xf32>,
    tpu.vector_store %arg8[%swap3A], %select_n3A_151 {strides = array<i32>} : memref<16xf32, #tpu.memory_space<vmem>>, vector<16xf32>,
    %mul3A_153 = arith.constant 16 : i32
    %mul3A_154 = arith.muli %add3A, %mul3A_153 : i32
    "tpu.region"() ({
      %run_scoped3A = tpu.sem_alloc : memref<!tpu.dma_semaphore, #tpu.memory_space<semaphore_mem>>
      %dma_start3A = tpu.memref_slice %arg4[%mul3A_154] : memref<512xf32, #tpu.memory_space<hbm>> -> memref<16xf32, #tpu.memory_space<hbm>>
      %dma_start3A_303 = tpu.memref_slice %arg4[%mul3A_154] : memref<512xf32, #tpu.memory_space<hbm>> -> memref<16xf32, #tpu.memory_space<hbm>>
      tpu.enqueue_dma source(%arg8 : memref<16xf32, #tpu.memory_space<vmem>>) target(%dma_start3A_303 : memref<16xf32, #tpu.memory_space<hbm>>) target_semaphore(%run_scoped3A : memref<!tpu.dma_semaphore, #tpu.memory_space<semaphore_mem>>)
      %dma_wait3A = tpu.memref_slice %arg4[%mul3A_154] : memref<512xf32, #tpu.memory_space<hbm>> -> memref<16xf32, #tpu.memory_space<hbm>>
      %dma_wait3A_304 = tpu.memref_slice %arg4[%mul3A_154] : memref<512xf32, #tpu.memory_space<hbm>> -> memref<16xf32, #tpu.memory_space<hbm>>
      tpu.wait_dma2 semaphore(%run_scoped3A : memref<!tpu.dma_semaphore, #tpu.memory_space<semaphore_mem>>) src(%arg8 : memref<16xf32, #tpu.memory_space<vmem>>) dst(%dma_wait3A_304 : memref<16xf32, #tpu.memory_space<hbm>>)
      tpu.yield
    }) : () -> ()
    %eq3A_155 = arith.constant 0 : i32
    %eq3A_156 = vector.broadcast %eq3A_155 : i32 to vector<16xi32>
    %eq3A_157 = arith.cmpi eq, %iota3A, %eq3A_156 : vector<16xi32>
    %reduce_sum3A_158 = arith.constant true
    %reduce_sum3A_159 = vector.broadcast %reduce_sum3A_158 : i1 to vector<16xi1>
    %reduce_sum3A_160 = tpu.scan <sum>, %scan3A_9#16 masked %reduce_sum3A_159 : vector<16xf32>, vector<16xi1> -> vector<16xf32>
    %reduce_sum3A_161 = vector.extract %reduce_sum3A_160[15] : f32 from vector<16xf32>
    %broadcast_in_dim3A_162 = vector.broadcast %reduce_sum3A_161 : f32 to vector<16xf32>
    %select_n3A_163 = arith.select %eq3A_157, %broadcast_in_dim3A_162, %broadcast_in_dim3A_3 : vector<16xi1>, vector<16xf32>
    %eq3A_164 = arith.constant 1 : i32
    %eq3A_165 = vector.broadcast %eq3A_164 : i32 to vector<16xi32>
    %eq3A_166 = arith.cmpi eq, %iota3A, %eq3A_165 : vector<16xi32>
    %reduce_sum3A_167 = arith.constant true
    %reduce_sum3A_168 = vector.broadcast %reduce_sum3A_167 : i1 to vector<16xi1>
    %reduce_sum3A_169 = tpu.scan <sum>, %scan3A_9#17 masked %reduce_sum3A_168 : vector<16xf32>, vector<16xi1> -> vector<16xf32>
    %reduce_sum3A_170 = vector.extract %reduce_sum3A_169[15] : f32 from vector<16xf32>
    %broadcast_in_dim3A_171 = vector.broadcast %reduce_sum3A_170 : f32 to vector<16xf32>
    %select_n3A_172 = arith.select %eq3A_166, %broadcast_in_dim3A_171, %select_n3A_163 : vector<16xi1>, vector<16xf32>
    %eq3A_173 = arith.constant 2 : i32
    %eq3A_174 = vector.broadcast %eq3A_173 : i32 to vector<16xi32>
    %eq3A_175 = arith.cmpi eq, %iota3A, %eq3A_174 : vector<16xi32>
    %reduce_sum3A_176 = arith.constant true
    %reduce_sum3A_177 = vector.broadcast %reduce_sum3A_176 : i1 to vector<16xi1>
    %reduce_sum3A_178 = tpu.scan <sum>, %scan3A_9#18 masked %reduce_sum3A_177 : vector<16xf32>, vector<16xi1> -> vector<16xf32>
    %reduce_sum3A_179 = vector.extract %reduce_sum3A_178[15] : f32 from vector<16xf32>
    %broadcast_in_dim3A_180 = vector.broadcast %reduce_sum3A_179 : f32 to vector<16xf32>
    %select_n3A_181 = arith.select %eq3A_175, %broadcast_in_dim3A_180, %select_n3A_172 : vector<16xi1>, vector<16xf32>
    %eq3A_182 = arith.constant 3 : i32
    %eq3A_183 = vector.broadcast %eq3A_182 : i32 to vector<16xi32>
    %eq3A_184 = arith.cmpi eq, %iota3A, %eq3A_183 : vector<16xi32>
    %reduce_sum3A_185 = arith.constant true
    %reduce_sum3A_186 = vector.broadcast %reduce_sum3A_185 : i1 to vector<16xi1>
    %reduce_sum3A_187 = tpu.scan <sum>, %scan3A_9#19 masked %reduce_sum3A_186 : vector<16xf32>, vector<16xi1> -> vector<16xf32>
    %reduce_sum3A_188 = vector.extract %reduce_sum3A_187[15] : f32 from vector<16xf32>
    %broadcast_in_dim3A_189 = vector.broadcast %reduce_sum3A_188 : f32 to vector<16xf32>
    %select_n3A_190 = arith.select %eq3A_184, %broadcast_in_dim3A_189, %select_n3A_181 : vector<16xi1>, vector<16xf32>
    %eq3A_191 = arith.constant 4 : i32
    %eq3A_192 = vector.broadcast %eq3A_191 : i32 to vector<16xi32>
    %eq3A_193 = arith.cmpi eq, %iota3A, %eq3A_192 : vector<16xi32>
    %reduce_sum3A_194 = arith.constant true
    %reduce_sum3A_195 = vector.broadcast %reduce_sum3A_194 : i1 to vector<16xi1>
    %reduce_sum3A_196 = tpu.scan <sum>, %scan3A_9#20 masked %reduce_sum3A_195 : vector<16xf32>, vector<16xi1> -> vector<16xf32>
    %reduce_sum3A_197 = vector.extract %reduce_sum3A_196[15] : f32 from vector<16xf32>
    %broadcast_in_dim3A_198 = vector.broadcast %reduce_sum3A_197 : f32 to vector<16xf32>
    %select_n3A_199 = arith.select %eq3A_193, %broadcast_in_dim3A_198, %select_n3A_190 : vector<16xi1>, vector<16xf32>
    %eq3A_200 = arith.constant 5 : i32
    %eq3A_201 = vector.broadcast %eq3A_200 : i32 to vector<16xi32>
    %eq3A_202 = arith.cmpi eq, %iota3A, %eq3A_201 : vector<16xi32>
    %reduce_sum3A_203 = arith.constant true
    %reduce_sum3A_204 = vector.broadcast %reduce_sum3A_203 : i1 to vector<16xi1>
    %reduce_sum3A_205 = tpu.scan <sum>, %scan3A_9#21 masked %reduce_sum3A_204 : vector<16xf32>, vector<16xi1> -> vector<16xf32>
    %reduce_sum3A_206 = vector.extract %reduce_sum3A_205[15] : f32 from vector<16xf32>
    %broadcast_in_dim3A_207 = vector.broadcast %reduce_sum3A_206 : f32 to vector<16xf32>
    %select_n3A_208 = arith.select %eq3A_202, %broadcast_in_dim3A_207, %select_n3A_199 : vector<16xi1>, vector<16xf32>
    %eq3A_209 = arith.constant 6 : i32
    %eq3A_210 = vector.broadcast %eq3A_209 : i32 to vector<16xi32>
    %eq3A_211 = arith.cmpi eq, %iota3A, %eq3A_210 : vector<16xi32>
    %reduce_sum3A_212 = arith.constant true
    %reduce_sum3A_213 = vector.broadcast %reduce_sum3A_212 : i1 to vector<16xi1>
    %reduce_sum3A_214 = tpu.scan <sum>, %scan3A_9#22 masked %reduce_sum3A_213 : vector<16xf32>, vector<16xi1> -> vector<16xf32>
    %reduce_sum3A_215 = vector.extract %reduce_sum3A_214[15] : f32 from vector<16xf32>
    %broadcast_in_dim3A_216 = vector.broadcast %reduce_sum3A_215 : f32 to vector<16xf32>
    %select_n3A_217 = arith.select %eq3A_211, %broadcast_in_dim3A_216, %select_n3A_208 : vector<16xi1>, vector<16xf32>
    %eq3A_218 = arith.constant 7 : i32
    %eq3A_219 = vector.broadcast %eq3A_218 : i32 to vector<16xi32>
    %eq3A_220 = arith.cmpi eq, %iota3A, %eq3A_219 : vector<16xi32>
    %reduce_sum3A_221 = arith.constant true
    %reduce_sum3A_222 = vector.broadcast %reduce_sum3A_221 : i1 to vector<16xi1>
    %reduce_sum3A_223 = tpu.scan <sum>, %scan3A_9#23 masked %reduce_sum3A_222 : vector<16xf32>, vector<16xi1> -> vector<16xf32>
    %reduce_sum3A_224 = vector.extract %reduce_sum3A_223[15] : f32 from vector<16xf32>
    %broadcast_in_dim3A_225 = vector.broadcast %reduce_sum3A_224 : f32 to vector<16xf32>
    %select_n3A_226 = arith.select %eq3A_220, %broadcast_in_dim3A_225, %select_n3A_217 : vector<16xi1>, vector<16xf32>
    %eq3A_227 = arith.constant 8 : i32
    %eq3A_228 = vector.broadcast %eq3A_227 : i32 to vector<16xi32>
    %eq3A_229 = arith.cmpi eq, %iota3A, %eq3A_228 : vector<16xi32>
    %reduce_sum3A_230 = arith.constant true
    %reduce_sum3A_231 = vector.broadcast %reduce_sum3A_230 : i1 to vector<16xi1>
    %reduce_sum3A_232 = tpu.scan <sum>, %scan3A_9#24 masked %reduce_sum3A_231 : vector<16xf32>, vector<16xi1> -> vector<16xf32>
    %reduce_sum3A_233 = vector.extract %reduce_sum3A_232[15] : f32 from vector<16xf32>
    %broadcast_in_dim3A_234 = vector.broadcast %reduce_sum3A_233 : f32 to vector<16xf32>
    %select_n3A_235 = arith.select %eq3A_229, %broadcast_in_dim3A_234, %select_n3A_226 : vector<16xi1>, vector<16xf32>
    %eq3A_236 = arith.constant 9 : i32
    %eq3A_237 = vector.broadcast %eq3A_236 : i32 to vector<16xi32>
    %eq3A_238 = arith.cmpi eq, %iota3A, %eq3A_237 : vector<16xi32>
    %reduce_sum3A_239 = arith.constant true
    %reduce_sum3A_240 = vector.broadcast %reduce_sum3A_239 : i1 to vector<16xi1>
    %reduce_sum3A_241 = tpu.scan <sum>, %scan3A_9#25 masked %reduce_sum3A_240 : vector<16xf32>, vector<16xi1> -> vector<16xf32>
    %reduce_sum3A_242 = vector.extract %reduce_sum3A_241[15] : f32 from vector<16xf32>
    %broadcast_in_dim3A_243 = vector.broadcast %reduce_sum3A_242 : f32 to vector<16xf32>
    %select_n3A_244 = arith.select %eq3A_238, %broadcast_in_dim3A_243, %select_n3A_235 : vector<16xi1>, vector<16xf32>
    %eq3A_245 = arith.constant 10 : i32
    %eq3A_246 = vector.broadcast %eq3A_245 : i32 to vector<16xi32>
    %eq3A_247 = arith.cmpi eq, %iota3A, %eq3A_246 : vector<16xi32>
    %reduce_sum3A_248 = arith.constant true
    %reduce_sum3A_249 = vector.broadcast %reduce_sum3A_248 : i1 to vector<16xi1>
    %reduce_sum3A_250 = tpu.scan <sum>, %scan3A_9#26 masked %reduce_sum3A_249 : vector<16xf32>, vector<16xi1> -> vector<16xf32>
    %reduce_sum3A_251 = vector.extract %reduce_sum3A_250[15] : f32 from vector<16xf32>
    %broadcast_in_dim3A_252 = vector.broadcast %reduce_sum3A_251 : f32 to vector<16xf32>
    %select_n3A_253 = arith.select %eq3A_247, %broadcast_in_dim3A_252, %select_n3A_244 : vector<16xi1>, vector<16xf32>
    %eq3A_254 = arith.constant 11 : i32
    %eq3A_255 = vector.broadcast %eq3A_254 : i32 to vector<16xi32>
    %eq3A_256 = arith.cmpi eq, %iota3A, %eq3A_255 : vector<16xi32>
    %reduce_sum3A_257 = arith.constant true
    %reduce_sum3A_258 = vector.broadcast %reduce_sum3A_257 : i1 to vector<16xi1>
    %reduce_sum3A_259 = tpu.scan <sum>, %scan3A_9#27 masked %reduce_sum3A_258 : vector<16xf32>, vector<16xi1> -> vector<16xf32>
    %reduce_sum3A_260 = vector.extract %reduce_sum3A_259[15] : f32 from vector<16xf32>
    %broadcast_in_dim3A_261 = vector.broadcast %reduce_sum3A_260 : f32 to vector<16xf32>
    %select_n3A_262 = arith.select %eq3A_256, %broadcast_in_dim3A_261, %select_n3A_253 : vector<16xi1>, vector<16xf32>
    %eq3A_263 = arith.constant 12 : i32
    %eq3A_264 = vector.broadcast %eq3A_263 : i32 to vector<16xi32>
    %eq3A_265 = arith.cmpi eq, %iota3A, %eq3A_264 : vector<16xi32>
    %reduce_sum3A_266 = arith.constant true
    %reduce_sum3A_267 = vector.broadcast %reduce_sum3A_266 : i1 to vector<16xi1>
    %reduce_sum3A_268 = tpu.scan <sum>, %scan3A_9#28 masked %reduce_sum3A_267 : vector<16xf32>, vector<16xi1> -> vector<16xf32>
    %reduce_sum3A_269 = vector.extract %reduce_sum3A_268[15] : f32 from vector<16xf32>
    %broadcast_in_dim3A_270 = vector.broadcast %reduce_sum3A_269 : f32 to vector<16xf32>
    %select_n3A_271 = arith.select %eq3A_265, %broadcast_in_dim3A_270, %select_n3A_262 : vector<16xi1>, vector<16xf32>
    %eq3A_272 = arith.constant 13 : i32
    %eq3A_273 = vector.broadcast %eq3A_272 : i32 to vector<16xi32>
    %eq3A_274 = arith.cmpi eq, %iota3A, %eq3A_273 : vector<16xi32>
    %reduce_sum3A_275 = arith.constant true
    %reduce_sum3A_276 = vector.broadcast %reduce_sum3A_275 : i1 to vector<16xi1>
    %reduce_sum3A_277 = tpu.scan <sum>, %scan3A_9#29 masked %reduce_sum3A_276 : vector<16xf32>, vector<16xi1> -> vector<16xf32>
    %reduce_sum3A_278 = vector.extract %reduce_sum3A_277[15] : f32 from vector<16xf32>
    %broadcast_in_dim3A_279 = vector.broadcast %reduce_sum3A_278 : f32 to vector<16xf32>
    %select_n3A_280 = arith.select %eq3A_274, %broadcast_in_dim3A_279, %select_n3A_271 : vector<16xi1>, vector<16xf32>
    %eq3A_281 = arith.constant 14 : i32
    %eq3A_282 = vector.broadcast %eq3A_281 : i32 to vector<16xi32>
    %eq3A_283 = arith.cmpi eq, %iota3A, %eq3A_282 : vector<16xi32>
    %reduce_sum3A_284 = arith.constant true
    %reduce_sum3A_285 = vector.broadcast %reduce_sum3A_284 : i1 to vector<16xi1>
    %reduce_sum3A_286 = tpu.scan <sum>, %scan3A_9#30 masked %reduce_sum3A_285 : vector<16xf32>, vector<16xi1> -> vector<16xf32>
    %reduce_sum3A_287 = vector.extract %reduce_sum3A_286[15] : f32 from vector<16xf32>
    %broadcast_in_dim3A_288 = vector.broadcast %reduce_sum3A_287 : f32 to vector<16xf32>
    %select_n3A_289 = arith.select %eq3A_283, %broadcast_in_dim3A_288, %select_n3A_280 : vector<16xi1>, vector<16xf32>
    %eq3A_290 = arith.constant 15 : i32
    %eq3A_291 = vector.broadcast %eq3A_290 : i32 to vector<16xi32>
    %eq3A_292 = arith.cmpi eq, %iota3A, %eq3A_291 : vector<16xi32>
    %reduce_sum3A_293 = arith.constant true
    %reduce_sum3A_294 = vector.broadcast %reduce_sum3A_293 : i1 to vector<16xi1>
    %reduce_sum3A_295 = tpu.scan <sum>, %scan3A_9#31 masked %reduce_sum3A_294 : vector<16xf32>, vector<16xi1> -> vector<16xf32>
    %reduce_sum3A_296 = vector.extract %reduce_sum3A_295[15] : f32 from vector<16xf32>
    %broadcast_in_dim3A_297 = vector.broadcast %reduce_sum3A_296 : f32 to vector<16xf32>
    %select_n3A_298 = arith.select %eq3A_292, %broadcast_in_dim3A_297, %select_n3A_289 : vector<16xi1>, vector<16xf32>
    %swap3A_299 = arith.constant 0 : index
    %swap3A_300 = tpu.vector_load %arg8[%swap3A_299] {strides = array<i32>} : memref<16xf32, #tpu.memory_space<vmem>>, vector<16xf32>,
    tpu.vector_store %arg8[%swap3A_299], %select_n3A_298 {strides = array<i32>} : memref<16xf32, #tpu.memory_space<vmem>>, vector<16xf32>,
    %mul3A_301 = arith.constant 16 : i32
    %mul3A_302 = arith.muli %add3A, %mul3A_301 : i32
    "tpu.region"() ({
      %run_scoped3A = tpu.sem_alloc : memref<!tpu.dma_semaphore, #tpu.memory_space<semaphore_mem>>
      %dma_start3A = tpu.memref_slice %arg5[%mul3A_302] : memref<512xf32, #tpu.memory_space<hbm>> -> memref<16xf32, #tpu.memory_space<hbm>>
      %dma_start3A_303 = tpu.memref_slice %arg5[%mul3A_302] : memref<512xf32, #tpu.memory_space<hbm>> -> memref<16xf32, #tpu.memory_space<hbm>>
      tpu.enqueue_dma source(%arg8 : memref<16xf32, #tpu.memory_space<vmem>>) target(%dma_start3A_303 : memref<16xf32, #tpu.memory_space<hbm>>) target_semaphore(%run_scoped3A : memref<!tpu.dma_semaphore, #tpu.memory_space<semaphore_mem>>)
      %dma_wait3A = tpu.memref_slice %arg5[%mul3A_302] : memref<512xf32, #tpu.memory_space<hbm>> -> memref<16xf32, #tpu.memory_space<hbm>>
      %dma_wait3A_304 = tpu.memref_slice %arg5[%mul3A_302] : memref<512xf32, #tpu.memory_space<hbm>> -> memref<16xf32, #tpu.memory_space<hbm>>
      tpu.wait_dma2 semaphore(%run_scoped3A : memref<!tpu.dma_semaphore, #tpu.memory_space<semaphore_mem>>) src(%arg8 : memref<16xf32, #tpu.memory_space<vmem>>) dst(%dma_wait3A_304 : memref<16xf32, #tpu.memory_space<hbm>>)
      tpu.yield
    }) : () -> ()
    return
  }
}

module attributes {stable_mosaic.version = 14 : i64} {
  func.func @_logits_body(%arg0: i32, %arg1: memref<1024x2048xf32, #tpu.memory_space<vmem>>, %arg2: memref<16x2048xf32, #tpu.memory_space<vmem>>, %arg3: memref<1x16xf32, #tpu.memory_space<vmem>>, %arg4: memref<1024x128xf32, #tpu.memory_space<vmem>>) attributes {dimension_semantics = [#tpu.dimension_semantics<arbitrary>], iteration_bounds = array<i64: 16>, scalar_prefetch = 0 : i64, scratch_operands = 0 : i64, tpu.core_type = #tpu.core_type<tc>, window_params = [{transform_indices = @transform_0, window_bounds = array<i64: 1024, 2048>}, {pipeline_mode = #tpu.pipeline_mode<synchronous>, transform_indices = @transform_1, window_bounds = array<i64: 16, 2048>}, {pipeline_mode = #tpu.pipeline_mode<synchronous>, transform_indices = @transform_2, window_bounds = array<i64: 1, 16>}, {transform_indices = @transform_3, window_bounds = array<i64: 1024, 128>}]} {
    %get3A = arith.constant 0 : index
    %get3A_0 = arith.constant 0 : index
    %get3A_1 = vector.load %arg1[%get3A, %get3A_0] : memref<1024x2048xf32, #tpu.memory_space<vmem>>, vector<1024x2048xf32>
    %get3A_2 = arith.constant 0 : index
    %get3A_3 = arith.constant 0 : index
    %get3A_4 = vector.load %arg2[%get3A_2, %get3A_3] : memref<16x2048xf32, #tpu.memory_space<vmem>>, vector<16x2048xf32>
    %dot_general3A = arith.constant dense<0.000000e+00> : vector<1024x16xf32>
    %dot_general3A_5 = tpu.matmul %get3A_1, %get3A_4, %dot_general3A {dimension_numbers = #tpu.dot_dimension_numbers<[1], [1], [0], [0], [0, 0, 1, 0], [], []>, transpose_lhs_hint = false} : vector<1024x2048xf32>, vector<16x2048xf32>, vector<1024x16xf32> -> vector<1024x16xf32>
    %broadcast_in_dim3A = arith.constant 0.000000e+00 : f32
    %broadcast_in_dim3A_6 = vector.broadcast %broadcast_in_dim3A : f32 to vector<1024x112xf32>
    %get3A_7 = arith.constant 0 : index
    %get3A_8 = arith.constant 0 : index
    %get3A_9 = vector.load %arg3[%get3A_7, %get3A_8] : memref<1x16xf32, #tpu.memory_space<vmem>>, vector<1x16xf32>
    %add3A = vector.broadcast %get3A_9 : vector<1x16xf32> to vector<1024x16xf32>
    %add3A_10 = arith.addf %dot_general3A_5, %add3A : vector<1024x16xf32>
    %concatenate3A = tpu.concatenate %add3A_10, %broadcast_in_dim3A_6 in 1 : vector<1024x16xf32>, vector<1024x112xf32> -> vector<1024x128xf32>
    %swap3A = arith.constant 0 : index
    %swap3A_11 = arith.constant 0 : index
    %swap3A_12 = vector.load %arg4[%swap3A, %swap3A_11] : memref<1024x128xf32, #tpu.memory_space<vmem>>, vector<1024x128xf32>
    tpu.vector_store %arg4[%swap3A, %swap3A_11], %concatenate3A {strides = array<i32>} : memref<1024x128xf32, #tpu.memory_space<vmem>>, vector<1024x128xf32>,
    return
  }
  func.func @transform_0(%arg0: i32) -> (i32, i32) {
    %c0_i32 = arith.constant 0 : i32
    %c0_i32_0 = arith.constant 0 : i32
    return %arg0, %c0_i32 : i32, i32
  }
  func.func @transform_1(%arg0: i32) -> (i32, i32) {
    %c0_i32 = arith.constant 0 : i32
    %c0_i32_0 = arith.constant 0 : i32
    %c0_i32_1 = arith.constant 0 : i32
    return %c0_i32, %c0_i32_0 : i32, i32
  }
  func.func @transform_2(%arg0: i32) -> (i32, i32) {
    %c0_i32 = arith.constant 0 : i32
    %c0_i32_0 = arith.constant 0 : i32
    %c0_i32_1 = arith.constant 0 : i32
    return %c0_i32, %c0_i32_0 : i32, i32
  }
  func.func @transform_3(%arg0: i32) -> (i32, i32) {
    %c0_i32 = arith.constant 0 : i32
    %c0_i32_0 = arith.constant 0 : i32
    return %arg0, %c0_i32 : i32, i32
  }
}

</mosaic_0001>

<sc_bundles>
// kernel: kernel.4.cloned.1.call-start
scs
__scs_entry_jumppad:
0x0: {  	(pc) =	sbr.rel $0x88, $3  }
0x1: {  	(tag) =	ssettag $0x0;
	lr =	simm.s32 $0x1  }
0x2: {  	[smem:$0x3F9E] =	sst lr;
	_ =	strace $0xD0000000  }
0x3: {  	_ = 	snop  }
0x4: {  	_ = 	snop  }
0x5: {  	_ = 	snop  }
0x6: {  	_ = 	snop  }
0x7: {  	_ = 	snop  }
__scs_overlays_trampoline_lowered:
0x8: {  	[smem:$0x3FAD] =	sst s0  }
0x9: {  	[smem:$0x3FAE] =	sst s1  }
0xa: {  	[smem:$0x3FAF] =	sst s2  }
0xb: {  	[smem:$0x3FB0] =	sst s3  }
0xc: {  	[smem:$0x3FB1] =	sst s4  }
0xd: {  	[smem:$0x3FB2] =	sst s5  }
0xe: {  	[smem:$0x3FB3] =	sst s6  }
0xf: {  	[smem:$0x3FB4] =	sst s7  }
0x10: {  	[smem:$0x3FB5] =	sst s8  }
0x11: {  	[smem:$0x3FB6] =	sst s9;
	s0 =	simm.s32 @!p0 $0x0  }
0x12: {  	s1 =	sld [smem:$0x3F9C];
	s0 =	simm.s32 @p0 $0x1  }
0x13: {  	[smem:$0x3FB7] =	sst s0;
	s0 =	simm.s32 @!p1 $0x0  }
0x14: {  	s2 =	sld [smem:$0x3F9B];
	s0 =	simm.s32 @p1 $0x1  }
0x15: {  	[smem:$0x3FB8] =	sst s0;
	s0 =	simm.s32 @!p2 $0x0  }
0x16: {  	s3 =	sld [smem:$0x3FDB];
	s0 =	simm.s32 @p2 $0x1  }
0x17: {  	s4 =	simm.s32 $0x1BF5;
	[smem:$0x3FBA] =	sst s0  }
0x18: {  	s0 =	sld [smem:$0x3F9D];
	_ =	swait.ge [sflag:s4], $0x0  }
0x19: {  	s7 =	sld [smem:$0x3F9E]  }
0x1a: {  	s8 =	sadd.s32 $0xFFFFE003, lr  }
0x1b: {  	s9 =	sadd.s32 $0xFFFFFEF7, lr;
	s5 =	simm.s32 $0xFFFFFFFF;
	p2 =	slt.u32 s8, $0xFFFFF086  }
0x1c: {  	p1 =	slt.u32 s9, $0xF7A;
	s5 =	simm.s32 @!p2 $0x0  }
0x1d: {  	s5 =	simm.s32 @p1 $0x1;
	p0 =	seq.s32 s7, s2  }
0x1e: {  	s7 =	smul.u32 @!p0 $0xF7A, s2;
	p2 =	seq.s32 @!p0 s5, $0x0  }
0x1f: {  	s9 =	smul.u32 $0xF7A, s1;
	s8 =	simm.s32 @!p0 $0x1BF5;
	p2 =	por !p2, p0  }
0x20: {  	[sflag:s8] =	ssyncset.s32 @!p0 $0xFFFFF086;
	s6 =	sadd.s32 @!p0 s3, s7;
	s7 =	simm.s32 @!p0 $0x108  }
0x21: {  	s3 =	sadd.s32 s3, s9;
	s6 =	sadd.s32 @!p0 $0x88, s6;
	s7 =	simm.s32 @p2 $0x1082  }
0x22: {  	[simem:s7], [sflag:s8] =	dma.local @!p0 [hbm:s6], $0xF7A  }
0x23: {  	s9 =	sor.u32 $0xD0000000, s2;
	s6 =	simm.s32 $0x108;
	_ =	swait.ge @!p0 [sflag:s8], $0x0  }
0x24: {  	s3 =	sadd.s32 $0x88, s3;
	s6 =	simm.s32 @!p1 $0x1082;
	[sflag:s4] =	ssyncset.s32 $0xFFFFF086  }
0x25: {  	[simem:s6], [sflag:s4] =	dma.local [hbm:s3], $0xF7A  }
0x26: {  	[smem:$0x3F9E] =	sst s1;
	(tag) =	ssettag s2;
	_ =	strace s9  }
0x27: {  	s1 =	sld [smem:$0x3FAE]  }
0x28: {  	s2 =	sld [smem:$0x3FAF]  }
0x29: {  	s4 =	sld [smem:$0x3FB1]  }
0x2a: {  	p0 =	seq.s32 s5, $0x0;
	s5 =	sld [smem:$0x3FB2]  }
0x2b: {  	s6 =	sld [smem:$0x3FB3]  }
0x2c: {  	s7 =	sld [smem:$0x3FB4]  }
0x2d: {  	s3 =	simm.s32 $0x108;
	s8 =	sld [smem:$0x3FB5]  }
0x2e: {  	s3 =	simm.s32 @!p0 $0x1082;
	s9 =	sld [smem:$0x3FB6]  }
0x2f: {  	lr =	sadd.s32 s0, s3;
	s0 =	sld [smem:$0x3FAD]  }
0x30: {  	s3 =	sld [smem:$0x3FB0]  }
0x31: {  	[smem:$0x3FB9] =	sst s10  }
0x32: {  	s10 =	sld [smem:$0x3FB7];
	_ =	sdelay $0x3  }
0x33: {  	p0 =	seq.s32 s10, $0x1;
	s10 =	sld [smem:$0x3FB9];
	_ =	sdelay $0x3  }
0x34: {  	[smem:$0x3FB9] =	sst s10  }
0x35: {  	s10 =	sld [smem:$0x3FB8];
	_ =	sdelay $0x3  }
0x36: {  	p1 =	seq.s32 s10, $0x1;
	s10 =	sld [smem:$0x3FB9];
	_ =	sdelay $0x3  }
0x37: {  	[smem:$0x3FB9] =	sst s10  }
0x38: {  	s10 =	sld [smem:$0x3FBA]  }
0x39: {  	_ = 	snop;
	(pc) =	sbr.ind lr, $3  }
0x3a: {  	_ = 	snop  }
0x3b: {  	_ = 	snop  }
0x3c: {  	p2 =	seq.s32 s10, $0x1;
	s10 =	sld [smem:$0x3FB9]  }
0x3d: {  	_ =	shalt  }
0x3e: {  	_ =	shalt  }
0x3f: {  	_ =	shalt  }
0x40: {  	_ =	shalt  }
0x41: {  	_ =	shalt  }
0x42: {  	_ =	shalt  }
0x43: {  	_ =	shalt  }
0x44: {  	_ =	shalt  }
0x45: {  	_ =	shalt  }
0x46: {  	_ =	shalt  }
0x47: {  	_ =	shalt  }
0x48: {  	_ =	shalt  }
0x49: {  	_ =	shalt  }
0x4a: {  	_ =	shalt  }
0x4b: {  	_ =	shalt  }
0x4c: {  	_ =	shalt  }
0x4d: {  	_ =	shalt  }
0x4e: {  	_ =	shalt  }
0x4f: {  	_ =	shalt  }
0x50: {  	_ =	shalt  }
0x51: {  	_ =	shalt  }
0x52: {  	_ =	shalt  }
0x53: {  	_ =	shalt  }
0x54: {  	_ =	shalt  }
0x55: {  	_ =	shalt  }
0x56: {  	_ =	shalt  }
0x57: {  	_ =	shalt  }
0x58: {  	_ =	shalt  }
0x59: {  	_ =	shalt  }
0x5a: {  	_ =	shalt  }
0x5b: {  	_ =	shalt  }
0x5c: {  	_ =	shalt  }
0x5d: {  	_ =	shalt  }
0x5e: {  	_ =	shalt  }
0x5f: {  	_ =	shalt  }
0x60: {  	_ =	shalt  }
0x61: {  	_ =	shalt  }
0x62: {  	_ =	shalt  }
0x63: {  	_ =	shalt  }
0x64: {  	_ =	shalt  }
0x65: {  	_ =	shalt  }
0x66: {  	_ =	shalt  }
0x67: {  	_ =	shalt  }
0x68: {  	_ =	shalt  }
0x69: {  	_ =	shalt  }
0x6a: {  	_ =	shalt  }
0x6b: {  	_ =	shalt  }
0x6c: {  	_ =	shalt  }
0x6d: {  	_ =	shalt  }
0x6e: {  	_ =	shalt  }
0x6f: {  	_ =	shalt  }
0x70: {  	_ =	shalt  }
0x71: {  	_ =	shalt  }
0x72: {  	_ =	shalt  }
0x73: {  	_ =	shalt  }
0x74: {  	_ =	shalt  }
0x75: {  	_ =	shalt  }
0x76: {  	_ =	shalt  }
0x77: {  	_ =	shalt  }
0x78: {  	_ =	shalt  }
0x79: {  	_ =	shalt  }
0x7a: {  	_ =	shalt  }
0x7b: {  	_ =	shalt  }
0x7c: {  	_ =	shalt  }
0x7d: {  	_ =	shalt  }
0x7e: {  	_ =	shalt  }
0x7f: {  	_ =	shalt  }
0x80: {  	_ =	shalt  }
0x81: {  	_ =	shalt  }
0x82: {  	_ =	shalt  }
0x83: {  	_ =	shalt  }
0x84: {  	_ =	shalt  }
0x85: {  	_ =	shalt  }
0x86: {  	_ =	shalt  }
0x87: {  	_ =	shalt  }
.Lfunc_end0:
.L_simem_size_0:
called_computation_lowered:
.L_overlay_start_0:
0x88: {  	s2 =	sld [smem:$0x3FD9]  }
0x89: {  	s3 =	sld [smem:$0x3FFE];
	_ =	sdelay $0x1  }
0x8a: {  	s1 =	srdreg.scid  }
0x8b: {  	s0 =	sand.u32 $0x1, s1  }
0x8c: {  	s16 =	sshll.u32 s0, $0xA;
	s2 =	sadd.s32 s3, s2  }
0x8d: {  	s2 =	sadd.s32 s2, s16  }
0x8e: {  	[smem:$0x3FC5] =	sst s2  }
0x8f: {  	_ = 	snop  }
0x90: {  	(tm) =	ssettm $0x1  }
0x91: {  	s17 =	sld [smem:$0x3FFB];
	_ =	sdelay $0x3  }
0x92: {  	_ =	strace s17  }
0x93: {  	s2 =	sld [smem:$0x3FFC];
	_ =	sdelay $0x3  }
0x94: {  	_ =	strace s2  }
0x95: {  	s2 =	sld [smem:$0x3FFD];
	_ =	sdelay $0x3  }
0x96: {  	_ =	strace s2  }
0x97: {  	_ =	strace $0x8FFFFFFF  }
0x98: {  	s18 =	sld [smem:$0x3FDB];
	_ =	sdelay $0x1  }
0x99: {  	s19 =	simm.s32 $_scs_section_size  }
0x9a: {  	s4 =	simm.s32 $_size__tile_overlayer_lowered;
	s5 =	simm.s32 $_tile_overlayer_lowered  }
0x9b: {  	s22 =	simm.s32 $0x1BFF;
	s21 =	sshll.u32 s5, $0x1;
	s2 =	sadd.s32 s19, s18  }
0x9c: {  	s6 =	simm.s32 $0x0;
	s20 =	sshll.u32 s4, $0x1;
	s4 =	sadd.s32 s21, s2  }
0x9d: {  	[timem:s6], [sflag:s22] =	dma.local [hbm:s4], s20  }
0x9e: {  	_ =	swait.ge [sflag:s22], s20  }
0x9f: {  	s3 =	ssub.s32 $0x0, s20;
	[sflag:s22] =	ssyncset.done $0x0  }
0xa0: {  	[sflag:s22] =	ssyncadd.s32 s3;
	_ =	sdelay $0x1  }
0xa1: {  	s23 =	simm.s32 $0x1B8B  }
0xa2: {  	_ =	swait.ge [sflag:s23], $0x1  }
0xa3: {  	[sflag:s23] =	ssyncset.done $0x0  }
0xa4: {  	s25 =	simm.s32 $0x1B8E;
	s24 =	sld [smem:$0x3FFE];
	[sflag:s23] =	ssyncadd.s32 $0xFFFFFFFF  }
0xa5: {  	s26 =	simm.s32 $execute0_lowered;
	[smem:$0x3FD2] =	sst s25  }
0xa6: {  	s4 =	sshll.u32 s26, $0x1;
	_ =	strace $0x80000046;
	[dreg:$0x1] =	wrdreg $0xFFFFFFFF  }
0xa7: {  	s28 =	simm.s32 $_size_execute0_lowered;
	s2 =	sadd.s32 s2, s4;
	[dreg:$0x0] =	wrdreg $0x0  }
0xa8: {  	s4 =	sshll.u32 s28, $0x1;
	[dreg:$0x2] =	wrdreg s2  }
0xa9: {  	[dreg:$0x3] =	wrdreg s4  }
0xaa: {  	[dreg:$0x4] =	wrdreg $0xC0  }
0xab: {  	_ =	task [dreg:s6], $0x5FFFF  }
0xac: {  	[dreg:$0x1] =	wrdreg $0xFFFFFFFF  }
0xad: {  	[dreg:$0x0] =	wrdreg $0x60  }
0xae: {  	[dreg:$0x2] =	wrdreg s24  }
0xaf: {  	[dreg:$0x3] =	wrdreg $0x9  }
0xb0: {  	_ =	task.clear_ibuf [dreg:s6], $0x4FFFF;
	_ =	strace $0x90000046  }
0xb1: {  	s29 =	simm.s32 $0x9;
	_ =	strace $0x80000048  }
0xb2: {  	_ =	swait.ge [sflag:s29], $0x1  }
0xb3: {  	[sflag:s29] =	ssyncadd.s32 $0xFFFFFFFF  }
0xb4: {  	_ =	strace $0x90000048  }
0xb5: {  	_ =	sfence  }
0xb6: {  	s30 =	sld [smem:$0x0];
	_ =	sdelay $0x2  }
0xb7: {  	s31 =	sshll.u32 s1, $0xD;
	s1 =	sshrl.u32 s1, $0x2  }
0xb8: {  	s3 =	sand.u32 $0x4000, s31;
	s1 =	sadd.s32 s1, s30  }
0xb9: {  	s0 =	sor.u32 s3, s0;
	s1 =	sshll.u32 s1, $0x11  }
0xba: {  	s0 =	sor.u32 s1, s0  }
0xbb: {  	s0 =	sadd.s32 $0x8F2B, s0  }
0xbc: {  	[sflag:s0] =	ssyncadd.remote.s32 $0x1  }
0xbd: {  	_ =	sfence.sel $0xFFFF  }
0xbe: {  	[dreg:$0x0] =	wrdreg $0xFFFFFFFF;
	(pc) =	sbr.abs _section_cstart, $3  }
0xbf: {  	[dreg:$0x1] =	wrdreg $0xFFFFFFFF  }
0xc0: {  	_ =	task.clear_ibuf [dreg:s6], $0x2FFFF;
	_ =	strace $0x9FFFFFFF  }
0xc1: {  	(tm) =	ssettm $0x7FFFFFFF  }
tec
execute0_lowered:
.L_overlay_start_1:
0x0: {  	(tag) =	ssettag $0x1  }
0x1: {  	s3 =	rddreg [dreg:$0x0]  }
0x2: {  	s0 =	rddreg [dreg:$0x1];
	s2 =	simm.s32 $0x0;
	s4 =	srdreg.scid  }
0x3: {  	s1 =	stileid.u32;
	s9 =	simm.s32 $0x80;
	s10 =	simm.s32 $0x1  }
0x4: {  	s11 =	simm.s32 $0x2000;
	s12 =	simm.s32 $0x4000;
	s13 =	simm.s32 $0x0  }
0x5: {  	[smem:$0x7FF] =	sst s2;
	s4 =	sand.u32 $0x1, s4;
	s5 =	sshll.u32 s1, $0x1  }
0x6: {  	_ =	strace $0x80000047;
	s5 =	sor.u32 s4, s5;
	s4 =	ssub.s32 $0x2, s4  }
0x7: {  	v0 =	vlaneseq.u32;
	s6 =	sshll.u32 s5, $0xD;
	s5 =	sshll.u32 s5, $0x1;
	s31 =	sshrl.u32 s4, $0x1  }
0x8: {  	v36 =	vmul.u32 $0x10, v0;
	s6 =	sadd.s32 s6, s3;
	s7 =	sadd.s32 s5, s3;
	s8 =	ssub.s32 s4, s31  }
0x9: {  	s3 =	sadd.s32 $0x200, s6;
	s4 =	sadd.s32 $0x40200, s6;
	s5 =	sadd.s32 $0x80200, s7  }
0xa: {  	v3 =	vimm.f32 $0.0e+00;
	[tilespmem:$0x1FFF0] =	vst v36;
	s6 =	sadd.s32 $0x80400, s7;
	s7 =	smax.u32 s8, $0x1;
	s8 =	simm.s32 $0x10  }
.LBB2_1:
0xb: {  	v51 =	vimm.f32 $0.0e+00;
	v5 =	vimm.f32 $0.0e+00  }
0xc: {  	v6 =	vimm.f32 $0.0e+00;
	v7 =	vimm.f32 $0.0e+00;
	v8 =	vimm.f32 $0.0e+00  }
0xd: {  	v9 =	vimm.f32 $0.0e+00;
	v10 =	vimm.f32 $0.0e+00;
	v11 =	vimm.f32 $0.0e+00  }
0xe: {  	v12 =	vimm.f32 $0.0e+00;
	v13 =	vimm.f32 $0.0e+00;
	v14 =	vimm.f32 $0.0e+00  }
0xf: {  	v15 =	vimm.f32 $0.0e+00;
	v16 =	vimm.f32 $0.0e+00;
	v17 =	vimm.f32 $0.0e+00  }
0x10: {  	v18 =	vimm.f32 $0.0e+00;
	v19 =	vimm.f32 $0.0e+00;
	v20 =	vimm.f32 $0.0e+00  }
0x11: {  	v21 =	vimm.f32 $0.0e+00;
	v22 =	vimm.f32 $0.0e+00;
	v23 =	vimm.f32 $0.0e+00  }
0x12: {  	[tilespmem:s2], [sflag:$0x1] =	stream.strided.gather [hbm4b:s3+s8], $0x2000, s9, s8, $0x38;
	v24 =	vimm.f32 $0.0e+00;
	v25 =	vimm.f32 $0.0e+00;
	v26 =	vimm.f32 $0.0e+00;
	[tilespmem:$0x4010] =	vst v63  }
0x13: {  	v27 =	vimm.f32 $0.0e+00;
	v28 =	vimm.f32 $0.0e+00;
	v29 =	vimm.f32 $0.0e+00;
	_ =	swait.ge [sflag:s10], $0x2000  }
0x14: {  	v30 =	vimm.f32 $0.0e+00;
	v31 =	vimm.f32 $0.0e+00;
	v32 =	vimm.f32 $0.0e+00;
	[sflag:s10] =	ssyncset.done $0x0  }
0x15: {  	s14 =	simm.s32 $0x0;
	v33 =	vimm.f32 $0.0e+00;
	v34 =	vimm.f32 $0.0e+00;
	v35 =	vimm.f32 $0.0e+00;
	[sflag:s10] =	ssyncadd.s32 $0xFFFFE000  }
.LBB2_2:
0x16: {  	_ =	sdelay $0x1  }
0x17: {  	v0 =	vmov s14  }
0x18: {  	v0 =	vshll.u32 v0, $0x4  }
0x19: {  	v48 =	vor.u32 v36, v0  }
0x1a: {  	v1 =	vor.u32 $0x1, v48;
	_ =	sdelay $0x3  }
0x1b: {  	v4 =	vor.u32 $0x2, v48;
	v0 =	vld.idx.msk [tilespmem:v48+s2+$0x0], $0xffff  }
0x1c: {  	v2 =	vld.idx.msk [tilespmem:v1+s2+$0x0], $0xffff;
	_ =	sdelay $0x1  }
0x1d: {  	[tilespmem:$0x1FF00] =	vst v1;
	v1 =	vor.u32 $0x3, v48;
	_ =	sdelay $0x1  }
0x1e: {  	v36 =	vld.idx.msk [tilespmem:v4+s2+$0x0], $0xffff  }
0x1f: {  	v37 =	vimm.s32 $0x0;
	[tilespmem:$0x1FF10] =	vst v4;
	v4 =	vor.u32 $0x4, v48;
	vm0 =	vgt.f32 v2, v0  }
0x20: {  	v37 =	vsel vm0, $0xFFFFFFFF, v37  }
0x21: {  	vm10 =	vmneg vm0;
	[tilespmem:$0x1FE20] =	vst v37;
	v37 =	vld.idx.msk [tilespmem:v1+s2+$0x0], $0xffff  }
0x22: {  	v40 =	vor.u32 $0x5, v48;
	[tilespmem:$0x1FF20] =	vst v1;
	v1 =	vsel vm10, v0, v2  }
0x23: {  	vm4 =	vgt.f32 v36, v1  }
0x24: {  	v38 =	vld.idx.msk [tilespmem:v4+s2+$0x0], $0xffff;
	vm3 =	vmneg vm4  }
0x25: {  	[tilespmem:$0x1FF30] =	vst v4;
	v4 =	vor.u32 $0x6, v48;
	v39 =	vsel vm3, v1, v36  }
0x26: {  	vm5 =	vgt.f32 v37, v39  }
0x27: {  	[tilespmem:$0x1FF40] =	vst v40;
	v40 =	vld.idx.msk [tilespmem:v40+s2+$0x0], $0xffff;
	vm13 =	vmneg vm5  }
0x28: {  	v41 =	vor.u32 $0x7, v48;
	v53 =	vsel vm13, v39, v37  }
0x29: {  	vm6 =	vgt.f32 v38, v53  }
0x2a: {  	v54 =	vld.idx.msk [tilespmem:v4+s2+$0x0], $0xffff;
	vm5 =	vmneg vm6  }
0x2b: {  	[tilespmem:$0x1FF50] =	vst v4;
	v4 =	vor.u32 $0x8, v48;
	v55 =	vsel vm5, v53, v38  }
0x2c: {  	vm7 =	vgt.f32 v40, v55  }
0x2d: {  	v56 =	vld.idx.msk [tilespmem:v41+s2+$0x0], $0xffff;
	vm4 =	vmneg vm7  }
0x2e: {  	v46 =	vor.u32 $0x9, v48;
	v57 =	vsel vm4, v55, v40  }
0x2f: {  	vm8 =	vgt.f32 v54, v57  }
0x30: {  	[tilespmem:$0x1FF70] =	vst v4;
	v58 =	vld.idx.msk [tilespmem:v4+s2+$0x0], $0xffff;
	v4 =	vor.u32 $0xA, v48;
	vm6 =	vmneg vm8  }
0x31: {  	v59 =	vsel vm6, v57, v54  }
0x32: {  	vm9 =	vgt.f32 v56, v59  }
0x33: {  	v43 =	vimm.s32 $0x0;
	v49 =	vimm.s32 $0x0;
	v60 =	vld.idx.msk [tilespmem:v46+s2+$0x0], $0xffff;
	vm7 =	vmneg vm9  }
0x34: {  	v47 =	vor.u32 $0xB, v48;
	vm1 =	vlt.f32 v2, $-Inf;
	v61 =	vsel vm7, v59, v56  }
0x35: {  	vm2 =	vgt.f32 v2, $-Inf;
	[tilespmem:$0x1FF90] =	vst v4;
	v62 =	vld.idx.msk [tilespmem:v4+s2+$0x0], $0xffff;
	v4 =	vor.u32 $0xC, v48;
	vm11 =	vgt.f32 v58, v61  }
0x36: {  	v45 =	vor.u32 $0xD, v48;
	[tilespmem:$0x1FF60] =	vst v41;
	vm14 =	vmor vm2, vm1;
	vm8 =	vmneg vm11  }
0x37: {  	[tilespmem:$0x1FF80] =	vst v46;
	v43 =	vsel vm10, $0xFFFFFFFF, v43;
	vm2 =	vmand vm10, vm14;
	v63 =	vsel vm8, v61, v58  }
0x38: {  	[tilespmem:$0x1FE10] =	vst v43;
	v43 =	vsel vm2, $0xFFFFFFFF, v49;
	vm12 =	vgt.f32 v60, v63  }
0x39: {  	v50 =	vimm.s32 $0x0;
	v41 =	vld.idx.msk [tilespmem:v47+s2+$0x0], $0xffff;
	v46 =	vor.u32 $0xE, v48;
	[tilespmem:$0x1FE00] =	vst v43;
	vm9 =	vmneg vm12  }
0x3a: {  	vm15 =	vmmov vm10;
	[tilespmem:$0x1FFB0] =	vst v4;
	v43 =	vld.idx.msk [tilespmem:v4+s2+$0x0], $0xffff;
	v4 =	vnsel vm2, $0xFF800000, v2;
	v42 =	vsel vm9, v63, v60  }
0x3b: {  	v49 =	vimm.s32 $0x0;
	v4 =	vsel vm15, v4, v0;
	vm10 =	vgt.f32 v62, v42  }
0x3c: {  	[tilespmem:$0x1FFC0] =	vst v45;
	v52 =	vld.idx.msk [tilespmem:v45+s2+$0x0], $0xffff;
	v45 =	vsel vm3, $0xFFFFFFFF, v50;
	vm11 =	vgt.f32 v36, v4;
	vm10 =	vmneg vm10  }
0x3d: {  	v50 =	vimm.s32 $0x0;
	vm0 =	vmand vm3, vm11;
	v44 =	vsel vm10, v42, v62  }
0x3e: {  	[tilespmem:$0x1FE40] =	vst v45;
	v45 =	vsel vm0, $0xFFFFFFFF, v49;
	v4 =	vsel vm0, v36, v4;
	vm12 =	vgt.f32 v41, v44  }
0x3f: {  	[tilespmem:$0x1FFD0] =	vst v46;
	v49 =	vor.u32 $0xF, v48;
	v1 =	vsel vm3, v4, v1;
	vm11 =	vmneg vm12  }
0x40: {  	[tilespmem:$0x1FE30] =	vst v45;
	v4 =	vld.idx.msk [tilespmem:v46+s2+$0x0], $0xffff;
	v46 =	vsel vm13, $0xFFFFFFFF, v50;
	vm1 =	vgt.f32 v37, v1;
	v45 =	vsel vm11, v44, v41  }
0x41: {  	[tilespmem:$0x1FFA0] =	vst v47;
	v50 =	vimm.s32 $0x0;
	vm15 =	vmand vm13, vm1;
	vm14 =	vgt.f32 v43, v45  }
0x42: {  	[tilespmem:$0x1FE60] =	vst v46;
	v46 =	vsel vm15, $0xFFFFFFFF, v50;
	vm12 =	vmneg vm14  }
0x43: {  	v47 =	vsel vm15, v37, v1;
	[tilespmem:$0x1FE50] =	vst v46;
	v46 =	vsel vm12, v45, v43  }
0x44: {  	v39 =	vsel vm13, v47, v39;
	vm14 =	vgt.f32 v52, v46  }
0x45: {  	[tilespmem:$0x1FFE0] =	vst v49;
	v1 =	vld.idx.msk [tilespmem:v49+s2+$0x0], $0xffff;
	v49 =	vimm.s32 $0x0;
	vm15 =	vgt.f32 v38, v39;
	vm13 =	vmneg vm14  }
0x46: {  	v49 =	vsel vm5, $0xFFFFFFFF, v49;
	vm14 =	vmand vm5, vm15;
	v47 =	vsel vm13, v46, v52  }
0x47: {  	[tilespmem:$0x1FE80] =	vst v49;
	v49 =	vimm.s32 $0x0;
	v39 =	vsel vm14, v38, v39;
	vm15 =	vgt.f32 v4, v47  }
0x48: {  	v49 =	vsel vm14, $0xFFFFFFFF, v49;
	v39 =	vsel vm5, v39, v53;
	vm14 =	vmneg vm15  }
0x49: {  	[tilespmem:$0x1FE70] =	vst v49;
	vm5 =	vgt.f32 v40, v39;
	v49 =	vsel vm14, v47, v4  }
0x4a: {  	v50 =	vimm.s32 $0x0;
	vm0 =	vmand vm4, vm5;
	vm15 =	vgt.f32 v1, v49  }
0x4b: {  	v50 =	vsel vm0, $0xFFFFFFFF, v50;
	vm15 =	vmneg vm15  }
0x4c: {  	v39 =	vsel vm0, v40, v39;
	[tilespmem:$0x1FE90] =	vst v50;
	v50 =	vsel vm15, v49, v1  }
0x4d: {  	v39 =	vsel vm4, v39, v55;
	v0 =	vsub.f32 v0, v50  }
0x4e: {  	vm5 =	vgt.f32 v54, v39  }
0x4f: {  	vm0 =	vmand vm6, vm5;
	v2 =	vsub.f32 v2, v50;
	v0 =	vmul.f32 $1.442695020e+00, v0  }
0x50: {  	v53 =	vimm.s32 $0x0;
	v39 =	vsel vm0, v54, v39  }
0x51: {  	v39 =	vsel vm6, v39, v57;
	(erf) = vpow2.f32 v0;
	v0 =	vmul.f32 $1.442695020e+00, v2  }
0x52: {  	v53 =	vsel vm0, $0xFFFFFFFF, v53;
	vm5 =	vgt.f32 v56, v39  }
0x53: {  	vm0 =	vmand vm7, vm5;
	(erf) = vpow2.f32 v0;
	v0 =	vimm.s32 $0x0  }
0x54: {  	v2 =	vsub.f32 v36, v50;
	v0 =	vsel vm0, $0xFFFFFFFF, v0  }
0x55: {  	[tilespmem:$0x1FEB0] =	vst v0;
	v0 =	vsub.f32 v37, v50  }
0x56: {  	v57 =	vsel vm0, v56, v39;
	v2 =	vmul.f32 $1.442695020e+00, v2  }
0x57: {  	v36 =	vsel vm7, v57, v59;
	v0 =	vmul.f32 $1.442695020e+00, v0  }
0x58: {  	vm5 =	vgt.f32 v58, v36;
	(erf) = vpow2.f32 v2  }
0x59: {  	vm0 =	vmand vm8, vm5;
	(erf) = vpow2.f32 v0;
	v0 =	vimm.s32 $0x0  }
0x5a: {  	v0 =	vsel vm0, $0xFFFFFFFF, v0  }
0x5b: {  	[tilespmem:$0x1FEC0] =	vst v0;
	v0 =	vsel vm0, v58, v36  }
0x5c: {  	v2 =	vsub.f32 v38, v50;
	v0 =	vsel vm8, v0, v61  }
0x5d: {  	vm5 =	vgt.f32 v60, v0  }
0x5e: {  	v2 =	vmul.f32 $1.442695020e+00, v2;
	vm0 =	vmand vm9, vm5  }
0x5f: {  	[tilespmem:$0x1FEA0] =	vst v53;
	v53 =	vimm.s32 $0x0;
	v59 =	vsub.f32 v40, v50;
	v0 =	vsel vm0, v60, v0  }
0x60: {  	v57 =	vsub.f32 v58, v50;
	v39 =	vpop (erf);
	(erf) = vpow2.f32 v2;
	v0 =	vsel vm9, v0, v63  }
0x61: {  	v2 =	vmul.f32 $1.442695020e+00, v59;
	v61 =	vsub.f32 v54, v50;
	vm5 =	vgt.f32 v62, v0  }
0x62: {  	v58 =	vimm.s32 $0x0;
	v36 =	vsel vm0, $0xFFFFFFFF, v53;
	vm0 =	vmand vm10, vm5  }
0x63: {  	v54 =	vadd.f32 $0.0e+00, v39;
	v55 =	vmul.f32 $1.442695020e+00, v61;
	v38 =	vsel vm0, $0xFFFFFFFF, v58  }
0x64: {  	(erf) = vpow2.f32 v2;
	v37 =	vpop (erf);
	v2 =	vsub.f32 v56, v50  }
0x65: {  	[tilespmem:$0x1FED0] =	vst v36;
	v36 =	vadd.f32 v54, v37;
	(erf) = vpow2.f32 v55  }
0x66: {  	v59 =	vsub.f32 v60, v50;
	v2 =	vmul.f32 $1.442695020e+00, v2;
	v0 =	vsel vm0, v62, v0;
	[tilespmem:$0x1FEE0] =	vst v38;
	v38 =	vpop (erf)  }
0x67: {  	v60 =	vsub.f32 v62, v50;
	v42 =	vsel vm10, v0, v42;
	v36 =	vadd.f32 v36, v38  }
0x68: {  	vm5 =	vgt.f32 v41, v42;
	(erf) = vpow2.f32 v2;
	v2 =	vmul.f32 $1.442695020e+00, v57;
	v40 =	vpop (erf)  }
0x69: {  	v63 =	vsub.f32 v41, v50;
	vm0 =	vmand vm11, vm5;
	v0 =	vadd.f32 v36, v40  }
0x6a: {  	v41 =	vsel vm0, v41, v42;
	(erf) = vpow2.f32 v2;
	v2 =	vmul.f32 $1.442695020e+00, v59  }
0x6b: {  	v53 =	vmul.f32 $1.442695020e+00, v60;
	v41 =	vsel vm11, v41, v44;
	v36 =	vpop (erf)  }
0x6c: {  	vm5 =	vgt.f32 v43, v41;
	(erf) = vpow2.f32 v2;
	v62 =	vadd.f32 v0, v36  }
0x6d: {  	v58 =	vmul.f32 $1.442695020e+00, v63;
	v59 =	vsub.f32 v43, v50;
	vm3 =	vmand vm12, vm5;
	v0 =	vpop (erf)  }
0x6e: {  	v41 =	vsel vm3, v43, v41;
	v57 =	vadd.f32 v62, v0;
	v2 =	vpop (erf);
	(erf) = vpow2.f32 v53  }
0x6f: {  	v56 =	vsub.f32 v52, v50;
	v41 =	vsel vm12, v41, v45  }
0x70: {  	(erf) = vpow2.f32 v58;
	v42 =	vadd.f32 v57, v2;
	v57 =	vmul.f32 $1.442695020e+00, v59  }
0x71: {  	v61 =	vimm.s32 $0x0;
	v44 =	vmul.f32 $1.442695020e+00, v56;
	vm5 =	vgt.f32 v52, v41;
	v63 =	vpop (erf)  }
0x72: {  	v58 =	vsub.f32 v4, v50;
	v42 =	vadd.f32 v42, v63;
	(erf) = vpow2.f32 v57  }
0x73: {  	vm2 =	vmand vm13, vm5;
	v59 =	vsub.f32 v1, v50;
	v62 =	vpop (erf)  }
0x74: {  	v43 =	vmul.f32 $1.442695020e+00, v58;
	(erf) = vpow2.f32 v44;
	v42 =	vadd.f32 v42, v62  }
0x75: {  	v54 =	vsel vm0, $0xFFFFFFFF, v61;
	v41 =	vsel vm2, v52, v41;
	v61 =	vpop (erf)  }
0x76: {  	v45 =	vmul.f32 $1.442695020e+00, v59;
	(erf) = vpow2.f32 v43;
	v42 =	vadd.f32 v42, v61  }
0x77: {  	v41 =	vsel vm13, v41, v46;
	v60 =	vpop (erf)  }
0x78: {  	vm5 =	vgt.f32 v4, v41;
	(erf) = vpow2.f32 v45;
	v42 =	vadd.f32 v42, v60  }
0x79: {  	vm1 =	vmand vm14, vm5;
	v59 =	vld [tilespmem:$0x1FE00];
	v58 =	vpop (erf)  }
0x7a: {  	v4 =	vsel vm1, v4, v41;
	v42 =	vadd.f32 v42, v58  }
0x7b: {  	v4 =	vsel vm14, v4, v47;
	v55 =	vpop (erf)  }
0x7c: {  	vm5 =	vgt.f32 v1, v4;
	v57 =	vadd.f32 v42, v55  }
0x7d: {  	[tilespmem:$0x1FEF0] =	vst v54;
	v46 =	vimm.s32 $0x10;
	vm0 =	vmand vm15, vm5;
	v54 =	vpop (erf)  }
0x7e: {  	vm5 =	vnez.u8 v59;
	v1 =	vsel vm0, v1, v4;
	v4 =	vld [tilespmem:$0x1FE10];
	v41 =	vadd.f32 v57, v54  }
0x7f: {  	v42 =	vsel vm5, $0x1, v46;
	v46 =	vld [tilespmem:$0x1FE20];
	v53 =	vpop (erf)  }
0x80: {  	v47 =	vld [tilespmem:$0x1FE30];
	v1 =	vsel vm15, v1, v49;
	v41 =	vadd.f32 v41, v53  }
0x81: {  	v49 =	vld [tilespmem:$0x1FE40];
	v1 =	vsub.f32 v1, v50;
	v52 =	vpop (erf)  }
0x82: {  	v50 =	vld [tilespmem:$0x1FE50];
	v41 =	vadd.f32 v41, v52  }
0x83: {  	v56 =	vld [tilespmem:$0x1FE60];
	v45 =	vimm.s32 $0x0;
	v1 =	vmul.f32 $1.442695020e+00, v1;
	vm5 =	vnez.u8 v4  }
0x84: {  	v4 =	vnsel vm5, $0x0, v42;
	v57 =	vld [tilespmem:$0x1FE70];
	vm5 =	vnez.u8 v46;
	(erf) = vrcp.f32 v41  }
0x85: {  	v42 =	vsel vm5, $0x1, v45;
	vm5 =	vnez.u8 v47;
	(erf) = vpow2.f32 v1;
	v1 =	vld [tilespmem:$0x1FE80]  }
0x86: {  	v59 =	vld [tilespmem:$0x1FE90];
	v4 =	vsel vm5, $0x2, v4;
	vm5 =	vnez.u8 v49  }
0x87: {  	v4 =	vsel vm5, v4, v42;
	v42 =	vnsel vm5, $0x2, v42;
	vm5 =	vnez.u8 v50  }
0x88: {  	v44 =	vld [tilespmem:$0x1FEA0];
	v4 =	vsel vm5, $0x3, v4;
	vm5 =	vnez.u8 v56  }
0x89: {  	v4 =	vsel vm5, v4, v42;
	v41 =	vnsel vm5, $0x3, v42;
	vm5 =	vnez.u8 v57  }
0x8a: {  	v45 =	vld [tilespmem:$0x1FEB0];
	v4 =	vsel vm5, $0x4, v4;
	vm5 =	vnez.u8 v1  }
0x8b: {  	v1 =	vsel vm5, v4, v41;
	v4 =	vnsel vm5, $0x4, v41;
	vm5 =	vnez.u8 v59  }
0x8c: {  	v46 =	vld [tilespmem:$0x1FEC0];
	v1 =	vsel vm5, $0x5, v1  }
0x8d: {  	v1 =	vsel vm4, v1, v4;
	v4 =	vnsel vm4, $0x5, v4;
	vm4 =	vnez.u8 v44  }
0x8e: {  	v49 =	vld [tilespmem:$0x1FED0];
	v57 =	vpop (erf);
	v1 =	vsel vm4, $0x6, v1  }
0x8f: {  	vm4 =	vnez.u8 v45;
	v47 =	vpop (erf);
	v1 =	vsel vm6, v1, v4  }
0x90: {  	v56 =	vld [tilespmem:$0x1FEE0];
	v4 =	vnsel vm6, $0x6, v4;
	v50 =	vadd.f32 $1.000000000e+00, v47;
	v1 =	vsel vm4, $0x7, v1  }
0x91: {  	vm4 =	vnez.u8 v46;
	v1 =	vsel vm7, v1, v4  }
0x92: {  	v59 =	vld [tilespmem:$0x1FEF0];
	v4 =	vnsel vm7, $0x7, v4;
	(erf) = vrcp.f32 v50;
	v1 =	vsel vm4, $0x8, v1  }
0x93: {  	v1 =	vsel vm8, v1, v4;
	v4 =	vnsel vm8, $0x8, v4;
	vm8 =	vnez.u8 v49  }
0x94: {  	v1 =	vsel vm8, $0x9, v1  }
0x95: {  	v1 =	vsel vm9, v1, v4;
	v4 =	vnsel vm9, $0x9, v4;
	vm9 =	vnez.u8 v56  }
0x96: {  	v39 =	vmul.f32 v57, v39;
	v1 =	vsel vm9, $0xA, v1  }
0x97: {  	v1 =	vsel vm10, v1, v4;
	v4 =	vnsel vm10, $0xA, v4;
	vm10 =	vnez.u8 v59  }
0x98: {  	v37 =	vmul.f32 v57, v37;
	v36 =	vmul.f32 v57, v36;
	v1 =	vsel vm10, $0xB, v1  }
0x99: {  	v0 =	vmul.f32 v57, v0;
	v2 =	vmul.f32 v57, v2;
	v1 =	vsel vm11, v1, v4  }
0x9a: {  	v35 =	vadd.f32 v39, v35;
	v4 =	vnsel vm11, $0xB, v4;
	v1 =	vsel vm3, $0xC, v1  }
0x9b: {  	v34 =	vadd.f32 v37, v34;
	v31 =	vadd.f32 v36, v31;
	v1 =	vsel vm12, v1, v4  }
0x9c: {  	v30 =	vadd.f32 v0, v30;
	v56 =	vpop (erf);
	v4 =	vnsel vm12, $0xC, v4;
	v1 =	vsel vm2, $0xD, v1  }
0x9d: {  	v50 =	vmul.f32 v57, v40;
	v59 =	vmul.f32 v56, v47;
	v1 =	vsel vm13, v1, v4  }
0x9e: {  	v47 =	vmul.f32 v57, v38;
	v4 =	vnsel vm13, $0xD, v4;
	v1 =	vsel vm1, $0xE, v1  }
0x9f: {  	v29 =	vadd.f32 v2, v29;
	v32 =	vadd.f32 v50, v32;
	v1 =	vsel vm14, v1, v4  }
0xa0: {  	v33 =	vadd.f32 v47, v33;
	v4 =	vnsel vm14, $0xE, v4;
	v1 =	vsel vm0, $0xF, v1  }
0xa1: {  	vm0 =	vgt.f32 v59, $0.0e+00;
	v1 =	vsel vm15, v1, v4;
	v4 =	vnsel vm15, $0xF, v4  }
0xa2: {  	vm15 =	veq.s32 v1, $0x0;
	vm4 =	veq.s32 v4, $0x0;
	vm9 =	veq.s32 v1, $0x1  }
0xa3: {  	vm11 =	veq.s32 v1, $0x2;
	vm6 =	veq.s32 v4, $0x5;
	vm5 =	vmand vm15, vm0  }
0xa4: {  	vm7 =	vmand vm9, vm0;
	vm8 =	vmand vm11, vm0;
	v43 =	vnsel vm15, $0x0, v59  }
0xa5: {  	vm1 =	vmor vm4, vm5;
	vm5 =	veq.s32 v1, $0x4;
	v37 =	vsel vm4, v56, v43  }
0xa6: {  	vm4 =	veq.s32 v4, $0x6;
	v45 =	vsel vm1, $0x3F800000, v3;
	vm1 =	veq.s32 v4, $0x1  }
0xa7: {  	vm12 =	vmand vm5, vm0;
	v50 =	vnsel vm5, $0x0, v59;
	vm5 =	veq.s32 v1, $0x9  }
0xa8: {  	v19 =	vadd.f32 v45, v19;
	vm2 =	vmor vm1, vm7;
	vm7 =	veq.s32 v4, $0x2  }
0xa9: {  	v46 =	vsel vm2, $0x3F800000, v3;
	vm2 =	vmor vm7, vm8;
	vm8 =	veq.s32 v1, $0x3  }
0xaa: {  	v49 =	vsel vm2, $0x3F800000, v3;
	vm2 =	veq.s32 v4, $0x3;
	vm10 =	vmand vm8, vm0  }
0xab: {  	v45 =	vnsel vm9, $0x0, v59;
	vm9 =	veq.s32 v1, $0x6;
	vm3 =	vmor vm2, vm10  }
0xac: {  	vm10 =	veq.s32 v1, $0x5;
	v42 =	vsel vm3, $0x3F800000, v3;
	vm3 =	veq.s32 v4, $0x4  }
0xad: {  	vm15 =	vmand vm9, vm0;
	vm13 =	vmor vm3, vm12;
	vm12 =	vmand vm10, vm0  }
0xae: {  	v36 =	vsel vm1, v56, v45;
	vm1 =	veq.s32 v4, $0x7;
	vm14 =	vmor vm6, vm12  }
0xaf: {  	v18 =	vadd.f32 v46, v18;
	v46 =	vmul.f32 v57, v63;
	v0 =	vsel vm14, $0x3F800000, v3  }
0xb0: {  	v17 =	vadd.f32 v49, v17;
	v14 =	vadd.f32 v0, v14;
	v0 =	vnsel vm11, $0x0, v59  }
0xb1: {  	v49 =	vmul.f32 v57, v62;
	v0 =	vsel vm7, v56, v0;
	vm7 =	veq.s32 v1, $0x7  }
0xb2: {  	v28 =	vadd.f32 v46, v28;
	v63 =	vnsel vm10, $0x0, v59;
	vm12 =	vmand vm7, vm0  }
0xb3: {  	v46 =	vmul.f32 v57, v60;
	v44 =	vsel vm13, $0x3F800000, v3;
	vm13 =	vmor vm1, vm12  }
0xb4: {  	v27 =	vadd.f32 v49, v27;
	v38 =	vsel vm3, v56, v50;
	v47 =	vsel vm13, $0x3F800000, v3  }
0xb5: {  	v39 =	vsel vm6, v56, v63;
	v63 =	vld [tilespmem:$0x1FF00];
	v12 =	vadd.f32 v47, v12;
	v47 =	vnsel vm9, $0x0, v59  }
0xb6: {  	vm3 =	veq.s32 v4, $0xA;
	vm11 =	vmor vm4, vm15;
	v40 =	vsel vm4, v56, v47;
	v47 =	vld [tilespmem:$0x1FF10]  }
0xb7: {  	[tilespmem:v48+s11+$0x0] =	vst.idx.msk $0xffff, v37;
	v48 =	vld [tilespmem:$0x1FF20];
	vm10 =	veq.s32 v1, $0xB;
	v50 =	vmul.f32 v57, v58;
	v2 =	vsel vm11, $0x3F800000, v3  }
0xb8: {  	vm6 =	veq.s32 v1, $0xA;
	vm11 =	veq.s32 v1, $0x8;
	v13 =	vadd.f32 v2, v13  }
0xb9: {  	v2 =	vnsel vm8, $0x0, v59;
	vm8 =	veq.s32 v4, $0x8;
	vm12 =	vmand vm11, vm0  }
0xba: {  	v24 =	vadd.f32 v50, v24;
	vm14 =	vmor vm8, vm12;
	vm13 =	vmand vm6, vm0  }
0xbb: {  	vm15 =	vmand vm5, vm0;
	v62 =	vsel vm14, $0x3F800000, v3;
	vm14 =	vmor vm3, vm13  }
0xbc: {  	v2 =	vsel vm2, v56, v2;
	vm2 =	veq.s32 v4, $0x9;
	v49 =	vsel vm14, $0x3F800000, v3  }
0xbd: {  	v58 =	vnsel vm7, $0x0, v59;
	vm12 =	vmor vm2, vm15;
	[tilespmem:v63+s11+$0x0] =	vst.idx.msk $0xffff, v36;
	v9 =	vadd.f32 v49, v9;
	v49 =	vld [tilespmem:$0x1FF30]  }
0xbe: {  	v50 =	vld [tilespmem:$0x1FF40];
	v45 =	vsel vm12, $0x3F800000, v3;
	vm9 =	veq.s32 v4, $0xB;
	vm12 =	vmand vm10, vm0;
	[tilespmem:v47+s11+$0x0] =	vst.idx.msk $0xffff, v0  }
0xbf: {  	vm7 =	veq.s32 v1, $0xC;
	vm15 =	vmor vm9, vm12;
	[tilespmem:v48+s11+$0x0] =	vst.idx.msk $0xffff, v2;
	v2 =	vmul.f32 v57, v54;
	v54 =	vld [tilespmem:$0x1FF50]  }
0xc0: {  	v11 =	vadd.f32 v62, v11;
	v62 =	vmul.f32 v57, v55;
	v55 =	vld [tilespmem:$0x1FF60];
	v60 =	vsel vm15, $0x3F800000, v3  }
0xc1: {  	vm4 =	veq.s32 v4, $0xC;
	vm12 =	vmand vm7, vm0;
	v8 =	vadd.f32 v60, v8;
	v60 =	vld [tilespmem:$0x1FF70]  }
0xc2: {  	v63 =	vld [tilespmem:$0x1FF80];
	vm14 =	veq.s32 v4, $0xD;
	vm13 =	vmor vm4, vm12  }
0xc3: {  	vm12 =	veq.s32 v4, $0xE;
	v0 =	vsel vm13, $0x3F800000, v3;
	vm13 =	veq.s32 v4, $0xF;
	v4 =	vld [tilespmem:$0x1FF90]  }
0xc4: {  	v25 =	vadd.f32 v46, v25;
	v15 =	vadd.f32 v44, v15  }
0xc5: {  	v10 =	vadd.f32 v45, v10;
	v45 =	vsel vm1, v56, v58;
	vm1 =	veq.s32 v1, $0xD;
	[tilespmem:v49+s11+$0x0] =	vst.idx.msk $0xffff, v38  }
0xc6: {  	v44 =	vmul.f32 v57, v61;
	v61 =	vnsel vm11, $0x0, v59;
	vm15 =	vmand vm1, vm0;
	[tilespmem:v50+s11+$0x0] =	vst.idx.msk $0xffff, v39  }
0xc7: {  	v46 =	vsel vm8, v56, v61;
	vm11 =	vmor vm14, vm15;
	v7 =	vadd.f32 v0, v7;
	[tilespmem:v54+s11+$0x0] =	vst.idx.msk $0xffff, v40  }
0xc8: {  	v0 =	vnsel vm5, $0x0, v59;
	v22 =	vadd.f32 v2, v22;
	v2 =	vsel vm11, $0x3F800000, v3;
	[tilespmem:v55+s11+$0x0] =	vst.idx.msk $0xffff, v45  }
0xc9: {  	v0 =	vsel vm2, v56, v0;
	v6 =	vadd.f32 v2, v6;
	v2 =	vnsel vm6, $0x0, v59;
	[tilespmem:v60+s11+$0x0] =	vst.idx.msk $0xffff, v46  }
0xca: {  	v2 =	vsel vm3, v56, v2;
	[tilespmem:v63+s11+$0x0] =	vst.idx.msk $0xffff, v0  }
0xcb: {  	[tilespmem:v4+s11+$0x0] =	vst.idx.msk $0xffff, v2;
	v4 =	vld [tilespmem:$0x1FFA0];
	_ =	sdelay $0x5  }
0xcc: {  	v58 =	vnsel vm10, $0x0, v59  }
0xcd: {  	v36 =	vsel vm9, v56, v58  }
0xce: {  	[tilespmem:v4+s11+$0x0] =	vst.idx.msk $0xffff, v36;
	v4 =	vld [tilespmem:$0x1FFB0];
	_ =	sdelay $0x5  }
0xcf: {  	v23 =	vadd.f32 v62, v23;
	v62 =	vnsel vm7, $0x0, v59  }
0xd0: {  	v2 =	vsel vm4, v56, v62  }
0xd1: {  	[tilespmem:v4+s11+$0x0] =	vst.idx.msk $0xffff, v2;
	v2 =	vld [tilespmem:$0x1FFC0];
	_ =	sdelay $0x3  }
0xd2: {  	v0 =	vnsel vm1, $0x0, v59  }
0xd3: {  	v0 =	vsel vm14, v56, v0;
	vm14 =	veq.s32 v1, $0xE  }
0xd4: {  	vm1 =	vmand vm14, vm0  }
0xd5: {  	vm15 =	veq.s32 v1, $0xF;
	vm1 =	vmor vm12, vm1  }
0xd6: {  	v4 =	vld [tilespmem:$0x1FFD0];
	[tilespmem:v2+s11+$0x0] =	vst.idx.msk $0xffff, v0;
	v0 =	vsel vm1, $0x3F800000, v3;
	v2 =	vnsel vm15, $0x0, v59  }
0xd7: {  	v5 =	vadd.f32 v0, v5;
	v0 =	vsel vm13, v56, v2;
	v2 =	vld [tilespmem:$0x1FFE0];
	_ =	sdelay $0x2  }
0xd8: {  	p0 =	sne.s32 s14, $0x1F0;
	v53 =	vmul.f32 v57, v53  }
.Ltmp0:
0xd9: {  	_ = 	snop;
	(pc) =	sbr.rel @p0 .LBB2_2-.Ltmp0, $4  }
0xda: {  	v21 =	vadd.f32 v53, v21;
	v1 =	vnsel vm14, $0x0, v59;
	vm0 =	vmand vm15, vm0  }
0xdb: {  	v61 =	vmul.f32 v57, v52;
	v1 =	vsel vm12, v56, v1;
	vm0 =	vmor vm13, vm0  }
0xdc: {  	v16 =	vadd.f32 v42, v16;
	v26 =	vadd.f32 v44, v26;
	[tilespmem:v4+s11+$0x0] =	vst.idx.msk $0xffff, v1;
	v1 =	vsel vm0, $0x3F800000, v3  }
0xdd: {  	s14 =	sadd.s32 $0x10, s14;
	v20 =	vadd.f32 v61, v20;
	v36 =	vld [tilespmem:$0x1FFF0];
	v51 =	vadd.f32 v1, v51;
	[tilespmem:v2+s11+$0x0] =	vst.idx.msk $0xffff, v0  }
0xde: {  	[hbm4b:s4+s8] =	stream.strided.scatter [tilespmem:s11], [sflag:$0x1], $0x2000, s9, s8, $0x38;
	[tilespmem:$0x4010] =	vst v63  }
0xdf: {  	_ =	swait.ge [sflag:s10], $0x2000  }
0xe0: {  	(xrf2) =	vadd.scan.msk.f32 $0xffff, v35  }
0xe1: {  	(xrf2) =	vadd.scan.msk.f32 $0xffff, v34  }
0xe2: {  	(xrf2) =	vadd.scan.msk.f32 $0xffff, v33  }
0xe3: {  	(xrf2) =	vadd.scan.msk.f32 $0xffff, v32  }
0xe4: {  	(xrf2) =	vadd.scan.msk.f32 $0xffff, v31  }
0xe5: {  	(xrf2) =	vadd.scan.msk.f32 $0xffff, v30  }
0xe6: {  	(xrf2) =	vadd.scan.msk.f32 $0xffff, v29  }
0xe7: {  	(xrf2) =	vadd.scan.msk.f32 $0xffff, v28  }
0xe8: {  	(xrf2) =	vadd.scan.msk.f32 $0xffff, v27  }
0xe9: {  	(xrf2) =	vadd.scan.msk.f32 $0xffff, v26  }
0xea: {  	v0, _, _ =	vpop (xrf2);
	(xrf2) =	vadd.scan.msk.f32 $0xffff, v25  }
0xeb: {  	v1, _, _ =	vpop (xrf2);
	(xrf2) =	vadd.scan.msk.f32 $0xffff, v24  }
0xec: {  	v0 =	vbroadcast v0, $0xF;
	v1 =	vbroadcast v1, $0xF;
	v2, _, _ =	vpop (xrf2);
	(xrf2) =	vadd.scan.msk.f32 $0xffff, v23  }
0xed: {  	vm0 =	vmmov $0x1;
	v2 =	vbroadcast v2, $0xF;
	v4, _, _ =	vpop (xrf2);
	(xrf2) =	vadd.scan.msk.f32 $0xffff, v22  }
0xee: {  	vm1 =	vmmov $0x3;
	v0 =	vsel vm0, v0, v1;
	v1 =	vbroadcast v4, $0xF;
	v4, _, _ =	vpop (xrf2)  }
0xef: {  	vm2 =	vmmov $0x7;
	(xrf2) =	vadd.scan.msk.f32 $0xffff, v21;
	v0 =	vsel vm1, v0, v2;
	v2 =	vbroadcast v4, $0xF;
	v4, _, _ =	vpop (xrf2)  }
0xf0: {  	vm4 =	vmmov $0xf;
	v0 =	vsel vm2, v0, v1;
	v1 =	vbroadcast v4, $0xF;
	v4, _, _ =	vpop (xrf2)  }
0xf1: {  	vm3 =	vmmov $0x1f;
	v0 =	vsel vm4, v0, v2;
	v2 =	vbroadcast v4, $0xF;
	v4, _, _ =	vpop (xrf2)  }
0xf2: {  	vm5 =	vmmov $0x3f;
	(xrf2) =	vadd.scan.msk.f32 $0xffff, v20;
	v0 =	vsel vm3, v0, v1;
	v1 =	vbroadcast v4, $0xF;
	v4, _, _ =	vpop (xrf2)  }
0xf3: {  	vm6 =	vmmov $0x7f;
	v0 =	vsel vm5, v0, v2;
	v2 =	vbroadcast v4, $0xF;
	v4, _, _ =	vpop (xrf2)  }
0xf4: {  	vm7 =	vmmov $0xff;
	v0 =	vsel vm6, v0, v1;
	v1 =	vbroadcast v4, $0xF;
	v4, _, _ =	vpop (xrf2)  }
0xf5: {  	vm8 =	vmmov $0x1ff;
	v0 =	vsel vm7, v0, v2;
	v2 =	vbroadcast v4, $0xF;
	v4, _, _ =	vpop (xrf2)  }
0xf6: {  	vm9 =	vmmov $0x3ff;
	v0 =	vsel vm8, v0, v1;
	v1 =	vbroadcast v4, $0xF;
	v4, _, _ =	vpop (xrf2)  }
0xf7: {  	vm10 =	vmmov $0x7ff;
	v0 =	vsel vm9, v0, v2;
	v2 =	vbroadcast v4, $0xF;
	v4, _, _ =	vpop (xrf2)  }
0xf8: {  	v0 =	vsel vm10, v0, v1;
	v1 =	vbroadcast v4, $0xF  }
0xf9: {  	vm11 =	vmmov $0xfff;
	v4, _, _ =	vpop (xrf2)  }
0xfa: {  	vm12 =	vmmov $0x1fff;
	v0 =	vsel vm11, v0, v2;
	v2 =	vbroadcast v4, $0xF  }
0xfb: {  	vm13 =	vmmov $0x3fff;
	v0 =	vsel vm12, v0, v1  }
0xfc: {  	vm14 =	vmmov $0x7fff;
	[sflag:s10] =	ssyncset.done $0x0;
	v0 =	vsel vm13, v0, v2;
	v1, _, _ =	vpop (xrf2)  }
0xfd: {  	[sflag:s10] =	ssyncadd.s32 $0xFFFFE000;
	v0 =	vsel vm14, v0, v1  }
0xfe: {  	[tilespmem:$0x4000] =	vst v0  }
0xff: {  	[hbm4b:s5+s2] =	stream.linear.scatter [tilespmem:s12], [sflag:$0x1], $0x10, $0x38;
	[tilespmem:$0x4010] =	vst v63  }
0x100: {  	_ =	swait.ge [sflag:s10], $0x10  }
0x101: {  	(xrf2) =	vadd.scan.msk.f32 $0xffff, v19  }
0x102: {  	(xrf2) =	vadd.scan.msk.f32 $0xffff, v18  }
0x103: {  	(xrf2) =	vadd.scan.msk.f32 $0xffff, v17  }
0x104: {  	(xrf2) =	vadd.scan.msk.f32 $0xffff, v16  }
0x105: {  	(xrf2) =	vadd.scan.msk.f32 $0xffff, v15  }
0x106: {  	(xrf2) =	vadd.scan.msk.f32 $0xffff, v14  }
0x107: {  	(xrf2) =	vadd.scan.msk.f32 $0xffff, v13  }
0x108: {  	(xrf2) =	vadd.scan.msk.f32 $0xffff, v12  }
0x109: {  	(xrf2) =	vadd.scan.msk.f32 $0xffff, v11  }
0x10a: {  	(xrf2) =	vadd.scan.msk.f32 $0xffff, v10  }
0x10b: {  	v0, _, _ =	vpop (xrf2);
	(xrf2) =	vadd.scan.msk.f32 $0xffff, v9  }
0x10c: {  	v1, _, _ =	vpop (xrf2);
	(xrf2) =	vadd.scan.msk.f32 $0xffff, v8  }
0x10d: {  	v0 =	vbroadcast v0, $0xF;
	v1 =	vbroadcast v1, $0xF;
	v2, _, _ =	vpop (xrf2);
	(xrf2) =	vadd.scan.msk.f32 $0xffff, v7  }
0x10e: {  	v2 =	vbroadcast v2, $0xF;
	v4, _, _ =	vpop (xrf2);
	(xrf2) =	vadd.scan.msk.f32 $0xffff, v6  }
0x10f: {  	v0 =	vsel vm0, v0, v1;
	v1 =	vbroadcast v4, $0xF;
	v4, _, _ =	vpop (xrf2)  }
0x110: {  	(xrf2) =	vadd.scan.msk.f32 $0xffff, v5;
	v5, _, _ =	vpop (xrf2);
	v0 =	vsel vm1, v0, v2;
	v2 =	vbroadcast v4, $0xF  }
0x111: {  	v4, _, _ =	vpop (xrf2);
	v0 =	vsel vm2, v0, v1;
	v1 =	vbroadcast v5, $0xF  }
0x112: {  	v0 =	vsel vm4, v0, v2;
	v2 =	vbroadcast v4, $0xF;
	v4, _, _ =	vpop (xrf2)  }
0x113: {  	(xrf2) =	vadd.scan.msk.f32 $0xffff, v51;
	v5, _, _ =	vpop (xrf2);
	v0 =	vsel vm3, v0, v1;
	v1 =	vbroadcast v4, $0xF  }
0x114: {  	v4, _, _ =	vpop (xrf2);
	v0 =	vsel vm5, v0, v2;
	v2 =	vbroadcast v5, $0xF  }
0x115: {  	v5, _, _ =	vpop (xrf2);
	v0 =	vsel vm6, v0, v1;
	v1 =	vbroadcast v4, $0xF  }
0x116: {  	v4, _, _ =	vpop (xrf2);
	v0 =	vsel vm7, v0, v2;
	v2 =	vbroadcast v5, $0xF  }
0x117: {  	v5, _, _ =	vpop (xrf2);
	v0 =	vsel vm8, v0, v1;
	v1 =	vbroadcast v4, $0xF  }
0x118: {  	v4, _, _ =	vpop (xrf2);
	v0 =	vsel vm9, v0, v2  }
0x119: {  	v2 =	vbroadcast v5, $0xF;
	v0 =	vsel vm10, v0, v1;
	v1 =	vbroadcast v4, $0xF  }
0x11a: {  	v5, _, _ =	vpop (xrf2)  }
0x11b: {  	v0 =	vsel vm11, v0, v2;
	v2 =	vbroadcast v5, $0xF  }
0x11c: {  	v0 =	vsel vm12, v0, v1  }
0x11d: {  	s13 =	sadd.s32 $0x1, s13;
	[sflag:s10] =	ssyncset.done $0x0;
	v0 =	vsel vm13, v0, v2;
	v1, _, _ =	vpop (xrf2)  }
0x11e: {  	p0 =	sne.s32 s13, s7;
	[sflag:s10] =	ssyncadd.s32 $0xFFFFFFF0;
	v0 =	vsel vm14, v0, v1  }
.Ltmp1:
0x11f: {  	[tilespmem:$0x4000] =	vst v0;
	(pc) =	sbr.rel @p0 .LBB2_1-.Ltmp1, $4  }
0x120: {  	[hbm4b:s6+s2] =	stream.linear.scatter [tilespmem:s12], [sflag:$0x1], $0x10, $0x38;
	[tilespmem:$0x4010] =	vst v63  }
0x121: {  	_ =	swait.ge [sflag:s10], $0x10  }
0x122: {  	[sflag:s10] =	ssyncset.done $0x0  }
0x123: {  	[sflag:s10] =	ssyncadd.s32 $0xFFFFFFF0  }
0x124: {  	_ =	sfence.sel $0x180000  }
0x125: {  	[bflag:$0x0] =	sbarrier.arrive $0xFFFF  }
0x126: {  	p0 =	sne.s32 s1, $0x0;
	_ =	strace $0x90000047  }
0x127: {  	s0 =	sadd.s32 @!p0 $0x100000, s0;
	[bflag:$0x2] =	sbarrier.arrive $0xFFFF  }
0x128: {  	[sflag:s0] =	ssyncadd.tile.s32 @!p0 $0x1;
	_ =	shalt  }
.Lfunc_end2:
_tile_overlayer_lowered:
.L_overlay_start_2:
0x129: {  	(tag) =	ssettag $0x2  }
0x12a: {  	s0 =	rddreg [dreg:$0x0];
	s2 =	stileid.u32  }
0x12b: {  	s1 =	rddreg [dreg:$0x1];
	p0 =	sne.s32 s2, $0x0  }
0x12c: {  	s3 =	rddreg [dreg:$0x2];
	[bflag:$0x3] =	sbarrier.arrive $0xFFFF;
	s2 =	simm.s32 @!p0 $0x1C01  }
0x12d: {  	[timem:s3], [sflag:s2] =	dma.local @!p0 [hbm:s0], s1  }
0x12e: {  	s0 =	simm.s32 @!p0 $0x1  }
0x12f: {  	_ =	swait.ge @!p0 [sflag:s0], s1  }
0x130: {  	s1 =	ssub.s32 @!p0 $0x0, s1;
	[sflag:s0] =	ssyncset.done @!p0 $0x0  }
0x131: {  	[sflag:s0] =	ssyncadd.s32 @!p0 s1  }
0x132: {  	[bflag:$0x3] =	sbarrier.arrive $0xFFFF  }
0x133: {  	_ =	shalt  }

</sc_bundles>
